<compile_context>
chip_gen: v7x
topology: tpu7x:2x2x1
jax: 0.10.2.dev20260603
libtpu: 0.0.44.dev20260713+nightly
codegen_flags: <defaults>
</compile_context>

<pallas_src>
import functools
import math

import jax
import jax.numpy as jnp
from jax import lax
from jax.experimental import pallas as pl
from jax.experimental.pallas import tpu as pltpu
from jax.experimental.pallas import tpu_sc as plsc

VOCAB = 100000
D = 768
K = 128
SPARSITY = 32
EPS = 0.05
N_ITER = 50
B = 2
S = 2048

CH = 512
NCH = S // CH
SINK_TOL = 1e-5


def _make_sc_gather():
    info = plsc.get_sparse_core_info()
    nw = info.num_cores * info.num_subcores
    n_tok = B * S
    b_per_w = n_tok // nw
    mesh = plsc.VectorSubcoreMesh(core_axis_name="c", subcore_axis_name="s")

    @functools.partial(
        pl.kernel,
        mesh=mesh,
        out_type=jax.ShapeDtypeStruct((n_tok, D), jnp.float32),
        scratch_types=[
            pltpu.VMEM((b_per_w,), jnp.int32),
            pltpu.VMEM((b_per_w, D), jnp.float32),
            pltpu.SemaphoreType.DMA,
        ],
    )
    def gather_kernel(table_hbm, idx_hbm, out_hbm, idx_v, rows_v, sem):
        wid = lax.axis_index("s") * info.num_cores + lax.axis_index("c")
        base = wid * b_per_w
        pltpu.sync_copy(idx_hbm.at[pl.ds(base, b_per_w)], idx_v)
        pltpu.async_copy(table_hbm.at[idx_v], rows_v, sem).wait()
        pltpu.sync_copy(rows_v, out_hbm.at[pl.ds(base, b_per_w)])

    return gather_kernel


def _tc_body(x_ref, proto_ref, w_ref, b_ref, zr_ref, zi_ref, ke_ref, u_ref):
    inv_eps = 1.0 / EPS
    mu = 1.0 / S
    nu = 1.0 / K

    proto = proto_ref[:]
    ones_row = jnp.ones((1, D), jnp.float32)
    p2 = lax.dot_general(ones_row, proto * proto,
                         (((1,), (1,)), ((), ())),
                         preferred_element_type=jnp.float32)

    for j in range(NCH):
        xc = x_ref[0, pl.ds(j * CH, CH), :]
        xp = lax.dot_general(xc, proto, (((1,), (1,)), ((), ())),
                             preferred_element_type=jnp.float32)
        x2 = jnp.sum(xc * xc, axis=1, keepdims=True)
        c = (x2 + p2 - 2.0 * xp) / D
        ke_ref[pl.ds(j * CH, CH), :] = jnp.exp(c * (-inv_eps))

    def sink_cond(carry):
        i, _, delta = carry
        return jnp.logical_and(i < N_ITER, delta > SINK_TOL)

    def sink_body(carry):
        i, w, _ = carry
        s_run = jnp.zeros((1, K), jnp.float32)
        for j in range(NCH):
            ke = ke_ref[pl.ds(j * CH, CH), :]
            r = jnp.sum(ke * w, axis=1, keepdims=True)
            uc = mu / r
            u_ref[pl.ds(j * CH, CH), :] = uc
            s_run = s_run + jnp.sum(ke * uc, axis=0, keepdims=True)
        w_new = nu / s_run
        delta = jnp.max(jnp.abs(w_new - w) / w_new)
        return i + 1, w_new, delta

    _, w, _ = lax.while_loop(
        sink_cond, sink_body,
        (jnp.int32(0), jnp.ones((1, K), jnp.float32), jnp.float32(jnp.inf)))

    lane = lax.broadcasted_iota(jnp.int32, (CH, K), 1)
    ri = lax.broadcasted_iota(jnp.int32, (K, K), 0)
    ci = lax.broadcasted_iota(jnp.int32, (K, K), 1)
    tri_strict = (ri < ci).astype(jnp.float32)

    wrow = jnp.exp(
        lax.broadcasted_iota(jnp.int32, (1, D), 1).astype(jnp.float32)
        * (-math.log(10000.0) / D))
    a8 = (lax.broadcasted_iota(jnp.int32, (64, D), 0) * 8).astype(jnp.float32)
    t8c = jnp.cos(a8 * wrow)
    t8s = jnp.sin(a8 * wrow)
    b8 = lax.broadcasted_iota(jnp.int32, (8, D), 0).astype(jnp.float32)
    b8c = jnp.cos(b8 * wrow)
    b8s = jnp.sin(b8 * wrow)
    b8c_e = jnp.broadcast_to(b8c[None], (64, 8, D)).reshape(CH, D)
    b8s_e = jnp.broadcast_to(b8s[None], (64, 8, D)).reshape(CH, D)

    bias = b_ref[:]

    for j in range(NCH):
        ke = ke_ref[pl.ds(j * CH, CH), :]
        uc = u_ref[pl.ds(j * CH, CH), :]
        t = uc * ke * w

        def ext_body(_, carry):
            vals, cnt, tau = carry
            m = jnp.max(vals, axis=1, keepdims=True)
            eqm = vals == m
            nc = cnt + jnp.sum(eqm.astype(jnp.float32), axis=1, keepdims=True)
            tau = jnp.where(
                jnp.logical_and(cnt < SPARSITY, nc >= SPARSITY), m, tau)
            vals = jnp.where(eqm, -jnp.inf, vals)
            return vals, nc, tau

        _, _, tau = lax.fori_loop(
            0, SPARSITY, ext_body,
            (t, jnp.zeros((CH, 1), jnp.float32), jnp.zeros((CH, 1), jnp.float32)))

        gt = t > tau
        eq = t == tau
        n_gt = jnp.sum(gt.astype(jnp.float32), axis=1, keepdims=True)
        excl = lax.dot_general(eq.astype(jnp.float32), tri_strict,
                               (((1,), (0,)), ((), ())),
                               preferred_element_type=jnp.float32)
        need = SPARSITY - n_gt
        sel = jnp.logical_or(gt, jnp.logical_and(eq, excl < need))
        mask = jnp.where(sel, 1.0, 0.0)

        t_sparse = jnp.maximum(t - tau, 0.0)
        fb = jnp.sum(t_sparse, axis=1, keepdims=True) <= 1e-12
        t_fin = jnp.where(fb, t * mask, t_sparse)

        sdr = lax.dot_general(t_fin, w_ref[:], (((1,), (1,)), ((), ())),
                              preferred_element_type=jnp.float32) + bias

        base = jnp.float32(j * CH)
        c0 = jnp.cos(base * wrow)
        s0 = jnp.sin(base * wrow)
        ca = c0 * t8c - s0 * t8s
        sa = s0 * t8c + c0 * t8s
        ca_e = jnp.broadcast_to(ca[:, None, :], (64, 8, D)).reshape(CH, D)
        sa_e = jnp.broadcast_to(sa[:, None, :], (64, 8, D)).reshape(CH, D)
        cosp = ca_e * b8c_e - sa_e * b8s_e
        sinp = sa_e * b8c_e + ca_e * b8s_e
        zr_ref[0, pl.ds(j * CH, CH), :] = sdr * cosp
        zi_ref[0, pl.ds(j * CH, CH), :] = sdr * sinp


def _tc_call(x, proto, w_out, b_out):
    return pl.pallas_call(
        _tc_body,
        grid=(B,),
        in_specs=[
            pl.BlockSpec((1, S, D), lambda b: (b, 0, 0)),
            pl.BlockSpec((K, D), lambda b: (0, 0)),
            pl.BlockSpec((D, K), lambda b: (0, 0)),
            pl.BlockSpec((1, D), lambda b: (0, 0)),
        ],
        out_specs=[
            pl.BlockSpec((1, S, D), lambda b: (b, 0, 0)),
            pl.BlockSpec((1, S, D), lambda b: (b, 0, 0)),
        ],
        out_shape=[
            jax.ShapeDtypeStruct((B, S, D), jnp.float32),
            jax.ShapeDtypeStruct((B, S, D), jnp.float32),
        ],
        scratch_shapes=[
            pltpu.VMEM((S, K), jnp.float32),
            pltpu.VMEM((S, 1), jnp.float32),
        ],
    )(x, proto, w_out, b_out)


def kernel(token_ids, emb_table, proto, W_out, b_out):
    idx = token_ids.astype(jnp.int32).reshape(B * S)
    x = _make_sc_gather()(emb_table, idx)
    x = x.reshape(B, S, D)
    zr, zi = _tc_call(x, proto, W_out, b_out.reshape(1, D))
    return jax.lax.complex(zr, zi)

# --- scband reference (transcript-rebuilt; emitter-appended) ---
"""Pipeline reference for scband-meshencoder-4037269258856 (READ-ONLY COPY).

The authoritative reference and input builder live on the scoring server;
editing this copy changes nothing except your own understanding.
"""

import jax, jax.numpy as jnp
import numpy as np
import math
from jax.scipy.special import logsumexp

VOCAB = 100000
D = 768
KCAND = 128
SPARSITY = 32
EPS = 0.05
N_ITER = 50
B = 2
S = 2048


def _forward(token_ids, emb_table, proto, W_out, b_out):
    # embedding lookup (gather)
    x = jnp.take(emb_table, token_ids, axis=0)  # [B, S, D]
    # LearnedCostMatrix: squared-euclidean cost to K learned prototypes
    x2 = jnp.sum(x * x, axis=-1, keepdims=True)  # [B, S, 1]
    p2 = jnp.sum(proto * proto, axis=-1)  # [K]
    xp = jnp.einsum('bsd,kd->bsk', x, proto)  # [B, S, K]
    C = (x2 + p2[None, None, :] - 2.0 * xp) / D  # [B, S, K]
    # LogSinkhorn: entropic OT in log-domain with uniform marginals
    Bn, Sn, Kn = C.shape
    log_mu = -math.log(Sn)
    log_nu = -math.log(Kn)
    f = jnp.zeros((Bn, Sn), C.dtype)
    g = jnp.zeros((Bn, Kn), C.dtype)
    for _ in range(N_ITER):
        f = EPS * (log_mu - logsumexp((g[:, None, :] - C) / EPS, axis=2))
        g = EPS * (log_nu - logsumexp((f[:, :, None] - C) / EPS, axis=1))
    T = jnp.exp((f[:, :, None] + g[:, None, :] - C) / EPS)  # [B, S, K]
    # top-k sparsification (shift-threshold by k-th largest value)
    T_abs = jnp.abs(T)
    topk_vals, topk_idx = jax.lax.top_k(T_abs, SPARSITY)
    tau = topk_vals[..., -1:]
    T_sparse = jnp.sign(T) * jax.nn.relu(T_abs - tau)
    fallback = jnp.sum(jnp.abs(T_sparse), axis=-1, keepdims=True) <= 1e-12
    mask = jnp.sum(jax.nn.one_hot(topk_idx, Kn, dtype=T.dtype), axis=-2)  # scatter of topk_idx -> indicator
    T_sparse = jnp.where(fallback, T * mask, T_sparse)
    # sdr_to_hidden linear
    sdr = jnp.einsum('bsk,dk->bsd', T_sparse, W_out) + b_out  # [B, S, D]
    # positional phase complex lift
    position = jnp.arange(Sn, dtype=jnp.float32)[:, None]
    div_term = jnp.exp(jnp.arange(D, dtype=jnp.float32) * (-math.log(10000.0) / D))
    phase = position * div_term  # [S, D]
    cos = jnp.cos(phase)[None]
    sin = jnp.sin(phase)[None]
    z_real = sdr * cos
    z_imag = sdr * sin
    return z_real, z_imag


def setup_inputs(seed: int = 0):
    key = jax.random.key(seed)
    k1, k2, k3, k4 = jax.random.split(key, 4)
    token_ids = jax.random.randint(k1, (B, S), 0, VOCAB)
    emb_table = jax.random.normal(k2, (VOCAB, D), jnp.float32) / math.sqrt(D)
    proto = jax.random.normal(k3, (KCAND, D), jnp.float32) * 0.02
    W_out = jax.random.normal(k4, (D, KCAND), jnp.float32) / math.sqrt(KCAND)
    b_out = jnp.zeros((D,), jnp.float32)
    return {"token_ids": token_ids, "emb_table": emb_table, "proto": proto, "W_out": W_out, "b_out": b_out}


def reference(token_ids, emb_table, proto, W_out, b_out):
    z_real, z_imag = _forward(token_ids, emb_table, proto, W_out, b_out)
    return jax.lax.complex(z_real, z_imag)

if __name__ == "__main__":
    import jax
    _d = setup_inputs()
    print(jax.jit(kernel)(*tuple(_d.values())))

</pallas_src>

<mosaic_0001>
#map = affine_map<(d0, d1) -> (0, 0)>
#map1 = affine_map<(d0, d1) -> (0)>
module attributes {stable_mosaic.version = 14 : i64} {
  func.func @gather_kernel(%arg0: i32, %arg1: i32, %arg2: memref<100000x768xf32, #tpu.memory_space<hbm>>, %arg3: memref<4096xi32, #tpu.memory_space<hbm>>, %arg4: memref<4096x768xf32, #tpu.memory_space<hbm>>, %arg5: memref<128xi32, #tpu.memory_space<vmem>>, %arg6: memref<128x768xf32, #tpu.memory_space<vmem>>, %arg7: memref<!tpu.dma_semaphore, #tpu.memory_space<semaphore_mem>>) attributes {dimension_semantics = [#tpu.dimension_semantics<core_parallel>, #tpu.dimension_semantics<subcore_parallel>], iteration_bounds = array<i64: 2, 16>, scalar_prefetch = 0 : i64, scratch_operands = 3 : i64, tpu.core_type = #tpu.core_type<sc_vector_subcore>, window_params = [{transform_indices = #map}, {transform_indices = #map1}, {transform_indices = #map}]} {
    %mul3A = arith.constant 2 : i32
    %mul3A_0 = arith.muli %arg1, %mul3A : i32
    %add3A = arith.addi %mul3A_0, %arg0 : i32
    %mul3A_1 = arith.constant 128 : i32
    %mul3A_2 = arith.muli %add3A, %mul3A_1 : i32
    "tpu.region"() ({
      %run_scoped3A = tpu.sem_alloc : memref<!tpu.dma_semaphore, #tpu.memory_space<semaphore_mem>>
      %dma_start3A_7 = tpu.memref_slice %arg3[%mul3A_2] : memref<4096xi32, #tpu.memory_space<hbm>> -> memref<128xi32, #tpu.memory_space<hbm>>
      %dma_start3A_8 = tpu.memref_slice %arg3[%mul3A_2] : memref<4096xi32, #tpu.memory_space<hbm>> -> memref<128xi32, #tpu.memory_space<hbm>>
      tpu.enqueue_dma source(%dma_start3A_8 : memref<128xi32, #tpu.memory_space<hbm>>) target(%arg5 : memref<128xi32, #tpu.memory_space<vmem>>) target_semaphore(%run_scoped3A : memref<!tpu.dma_semaphore, #tpu.memory_space<semaphore_mem>>)
      %dma_wait3A_9 = tpu.memref_slice %arg3[%mul3A_2] : memref<4096xi32, #tpu.memory_space<hbm>> -> memref<128xi32, #tpu.memory_space<hbm>>
      %dma_wait3A_10 = tpu.memref_slice %arg3[%mul3A_2] : memref<4096xi32, #tpu.memory_space<hbm>> -> memref<128xi32, #tpu.memory_space<hbm>>
      tpu.wait_dma2 semaphore(%run_scoped3A : memref<!tpu.dma_semaphore, #tpu.memory_space<semaphore_mem>>) src(%dma_wait3A_10 : memref<128xi32, #tpu.memory_space<hbm>>) dst(%arg5 : memref<128xi32, #tpu.memory_space<vmem>>)
      tpu.yield
    }) : () -> ()
    %dma_start3A = arith.constant 0 : i32
    %dma_start3A_3 = arith.constant 0 : i32
    %dma_start3A_4 = tpu.memref_slice %arg2[%dma_start3A, %dma_start3A_3] : memref<100000x768xf32, #tpu.memory_space<hbm>> -> memref<100000x768xf32, #tpu.memory_space<hbm>>
    tpu.enqueue_indirect_dma source(%dma_start3A_4 : memref<100000x768xf32, #tpu.memory_space<hbm>>) target(%arg6 : memref<128x768xf32, #tpu.memory_space<vmem>>) offsets(%arg5 : memref<128xi32, #tpu.memory_space<vmem>>) semaphore(%arg7 : memref<!tpu.dma_semaphore, #tpu.memory_space<semaphore_mem>>)
    %dma_wait3A = arith.constant 0 : i32
    %dma_wait3A_5 = arith.constant 0 : i32
    %dma_wait3A_6 = tpu.memref_slice %arg2[%dma_wait3A, %dma_wait3A_5] : memref<100000x768xf32, #tpu.memory_space<hbm>> -> memref<100000x768xf32, #tpu.memory_space<hbm>>
    tpu.wait_indirect_dma semaphore(%arg7 : memref<!tpu.dma_semaphore, #tpu.memory_space<semaphore_mem>>) src(%dma_wait3A_6 : memref<100000x768xf32, #tpu.memory_space<hbm>>) dst(%arg6 : memref<128x768xf32, #tpu.memory_space<vmem>>)
    "tpu.region"() ({
      %run_scoped3A = tpu.sem_alloc : memref<!tpu.dma_semaphore, #tpu.memory_space<semaphore_mem>>
      %dma_start3A_7 = arith.constant 0 : i32
      %dma_start3A_8 = tpu.memref_slice %arg4[%mul3A_2, %dma_start3A_7] : memref<4096x768xf32, #tpu.memory_space<hbm>> -> memref<128x768xf32, #tpu.memory_space<hbm>>
      %dma_start3A_9 = arith.constant 0 : i32
      %dma_start3A_10 = tpu.memref_slice %arg4[%mul3A_2, %dma_start3A_9] : memref<4096x768xf32, #tpu.memory_space<hbm>> -> memref<128x768xf32, #tpu.memory_space<hbm>>
      tpu.enqueue_dma source(%arg6 : memref<128x768xf32, #tpu.memory_space<vmem>>) target(%dma_start3A_10 : memref<128x768xf32, #tpu.memory_space<hbm>>) target_semaphore(%run_scoped3A : memref<!tpu.dma_semaphore, #tpu.memory_space<semaphore_mem>>)
      %dma_wait3A_11 = arith.constant 0 : i32
      %dma_wait3A_12 = tpu.memref_slice %arg4[%mul3A_2, %dma_wait3A_11] : memref<4096x768xf32, #tpu.memory_space<hbm>> -> memref<128x768xf32, #tpu.memory_space<hbm>>
      %dma_wait3A_13 = arith.constant 0 : i32
      %dma_wait3A_14 = tpu.memref_slice %arg4[%mul3A_2, %dma_wait3A_13] : memref<4096x768xf32, #tpu.memory_space<hbm>> -> memref<128x768xf32, #tpu.memory_space<hbm>>
      tpu.wait_dma2 semaphore(%run_scoped3A : memref<!tpu.dma_semaphore, #tpu.memory_space<semaphore_mem>>) src(%arg6 : memref<128x768xf32, #tpu.memory_space<vmem>>) dst(%dma_wait3A_14 : memref<128x768xf32, #tpu.memory_space<hbm>>)
      tpu.yield
    }) : () -> ()
    return
  }
}

module attributes {stable_mosaic.version = 14 : i64} {
  func.func @_tc_body(%arg0: i32, %arg1: memref<1x2048x768xf32, #tpu.memory_space<vmem>>, %arg2: memref<128x768xf32, #tpu.memory_space<vmem>>, %arg3: memref<768x128xf32, #tpu.memory_space<vmem>>, %arg4: memref<1x768xf32, #tpu.memory_space<vmem>>, %arg5: memref<1x2048x768xf32, #tpu.memory_space<vmem>>, %arg6: memref<1x2048x768xf32, #tpu.memory_space<vmem>>, %arg7: memref<2048x128xf32, #tpu.memory_space<vmem>>, %arg8: memref<2048x1xf32, #tpu.memory_space<vmem>>) attributes {dimension_semantics = [#tpu.dimension_semantics<arbitrary>], iteration_bounds = array<i64: 2>, scalar_prefetch = 0 : i64, scratch_operands = 2 : i64, tpu.core_type = #tpu.core_type<tc>, window_params = [{transform_indices = @transform_0, window_bounds = array<i64: 1, 2048, 768>}, {pipeline_mode = #tpu.pipeline_mode<synchronous>, transform_indices = @transform_1, window_bounds = array<i64: 128, 768>}, {pipeline_mode = #tpu.pipeline_mode<synchronous>, transform_indices = @transform_2, window_bounds = array<i64: 768, 128>}, {pipeline_mode = #tpu.pipeline_mode<synchronous>, transform_indices = @transform_3, window_bounds = array<i64: 1, 768>}, {transform_indices = @transform_4, window_bounds = array<i64: 1, 2048, 768>}, {transform_indices = @transform_5, window_bounds = array<i64: 1, 2048, 768>}]} {
    %get3A = arith.constant 0 : index
    %get3A_0 = arith.constant 0 : index
    %get3A_1 = vector.load %arg2[%get3A, %get3A_0] : memref<128x768xf32, #tpu.memory_space<vmem>>, vector<128x768xf32>
    %broadcast_in_dim3A = arith.constant 1.000000e+00 : f32
    %broadcast_in_dim3A_2 = vector.broadcast %broadcast_in_dim3A : f32 to vector<1x768xf32>
    %mul3A = arith.mulf %get3A_1, %get3A_1 : vector<128x768xf32>
    %dot_general3A = arith.constant dense<0.000000e+00> : vector<1x128xf32>
    %dot_general3A_3 = tpu.matmul %broadcast_in_dim3A_2, %mul3A, %dot_general3A {dimension_numbers = #tpu.dot_dimension_numbers<[1], [1], [0], [0], [0, 0, 1, 0], [], []>, transpose_lhs_hint = false} : vector<1x768xf32>, vector<128x768xf32>, vector<1x128xf32> -> vector<1x128xf32>
    %get3A_4 = arith.constant 0 : index
    %get3A_5 = arith.constant 0 : index
    %get3A_6 = arith.constant 0 : index
    %get3A_7 = vector.load %arg1[%get3A_4, %get3A_5, %get3A_6] : memref<1x2048x768xf32, #tpu.memory_space<vmem>>, vector<1x512x768xf32>
    %get3A_8 = vector.shape_cast %get3A_7 : vector<1x512x768xf32> to vector<512x768xf32>
    %dot_general3A_9 = arith.constant dense<0.000000e+00> : vector<512x128xf32>
    %dot_general3A_10 = tpu.matmul %get3A_8, %get3A_1, %dot_general3A_9 {dimension_numbers = #tpu.dot_dimension_numbers<[1], [1], [0], [0], [0, 0, 1, 0], [], []>, transpose_lhs_hint = false} : vector<512x768xf32>, vector<128x768xf32>, vector<512x128xf32> -> vector<512x128xf32>
    %mul3A_11 = arith.mulf %get3A_8, %get3A_8 : vector<512x768xf32>
    %reduce_sum3A = arith.constant dense<0.000000e+00> : vector<512xf32>
    %reduce_sum3A_12 = vector.multi_reduction <add>, %mul3A_11, %reduce_sum3A [1] : vector<512x768xf32> to vector<512xf32>
    %broadcast_in_dim3A_13 = vector.shape_cast %reduce_sum3A_12 : vector<512xf32> to vector<512x1xf32>
    %add3A = vector.broadcast %broadcast_in_dim3A_13 : vector<512x1xf32> to vector<512x128xf32>
    %add3A_14 = vector.broadcast %dot_general3A_3 : vector<1x128xf32> to vector<512x128xf32>
    %add3A_15 = arith.addf %add3A, %add3A_14 : vector<512x128xf32>
    %mul3A_16 = arith.constant 2.000000e+00 : f32
    %mul3A_17 = vector.broadcast %mul3A_16 : f32 to vector<512x128xf32>
    %mul3A_18 = arith.mulf %mul3A_17, %dot_general3A_10 : vector<512x128xf32>
    %sub3A = arith.subf %add3A_15, %mul3A_18 : vector<512x128xf32>
    %div3A = arith.constant 7.680000e+02 : f32
    %div3A_19 = vector.broadcast %div3A : f32 to vector<512x128xf32>
    %div3A_20 = arith.divf %sub3A, %div3A_19 : vector<512x128xf32>
    %mul3A_21 = arith.constant -2.000000e+01 : f32
    %mul3A_22 = vector.broadcast %mul3A_21 : f32 to vector<512x128xf32>
    %mul3A_23 = arith.mulf %div3A_20, %mul3A_22 : vector<512x128xf32>
    %exp3A = math.exp %mul3A_23 : vector<512x128xf32>
    %swap3A = arith.constant 0 : index
    %swap3A_24 = arith.constant 0 : index
    %swap3A_25 = vector.load %arg7[%swap3A, %swap3A_24] : memref<2048x128xf32, #tpu.memory_space<vmem>>, vector<512x128xf32>
    tpu.vector_store %arg7[%swap3A, %swap3A_24], %exp3A {strides = array<i32>} : memref<2048x128xf32, #tpu.memory_space<vmem>>, vector<512x128xf32>,
    %get3A_26 = arith.constant 0 : index
    %get3A_27 = arith.constant 512 : index
    %get3A_28 = arith.constant 0 : index
    %get3A_29 = vector.load %arg1[%get3A_26, %get3A_27, %get3A_28] : memref<1x2048x768xf32, #tpu.memory_space<vmem>>, vector<1x512x768xf32>
    %get3A_30 = vector.shape_cast %get3A_29 : vector<1x512x768xf32> to vector<512x768xf32>
    %dot_general3A_31 = arith.constant dense<0.000000e+00> : vector<512x128xf32>
    %dot_general3A_32 = tpu.matmul %get3A_30, %get3A_1, %dot_general3A_31 {dimension_numbers = #tpu.dot_dimension_numbers<[1], [1], [0], [0], [0, 0, 1, 0], [], []>, transpose_lhs_hint = false} : vector<512x768xf32>, vector<128x768xf32>, vector<512x128xf32> -> vector<512x128xf32>
    %mul3A_33 = arith.mulf %get3A_30, %get3A_30 : vector<512x768xf32>
    %reduce_sum3A_34 = arith.constant dense<0.000000e+00> : vector<512xf32>
    %reduce_sum3A_35 = vector.multi_reduction <add>, %mul3A_33, %reduce_sum3A_34 [1] : vector<512x768xf32> to vector<512xf32>
    %broadcast_in_dim3A_36 = vector.shape_cast %reduce_sum3A_35 : vector<512xf32> to vector<512x1xf32>
    %add3A_37 = vector.broadcast %broadcast_in_dim3A_36 : vector<512x1xf32> to vector<512x128xf32>
    %add3A_38 = vector.broadcast %dot_general3A_3 : vector<1x128xf32> to vector<512x128xf32>
    %add3A_39 = arith.addf %add3A_37, %add3A_38 : vector<512x128xf32>
    %mul3A_40 = arith.constant 2.000000e+00 : f32
    %mul3A_41 = vector.broadcast %mul3A_40 : f32 to vector<512x128xf32>
    %mul3A_42 = arith.mulf %mul3A_41, %dot_general3A_32 : vector<512x128xf32>
    %sub3A_43 = arith.subf %add3A_39, %mul3A_42 : vector<512x128xf32>
    %div3A_44 = arith.constant 7.680000e+02 : f32
    %div3A_45 = vector.broadcast %div3A_44 : f32 to vector<512x128xf32>
    %div3A_46 = arith.divf %sub3A_43, %div3A_45 : vector<512x128xf32>
    %mul3A_47 = arith.constant -2.000000e+01 : f32
    %mul3A_48 = vector.broadcast %mul3A_47 : f32 to vector<512x128xf32>
    %mul3A_49 = arith.mulf %div3A_46, %mul3A_48 : vector<512x128xf32>
    %exp3A_50 = math.exp %mul3A_49 : vector<512x128xf32>
    %swap3A_51 = arith.constant 512 : index
    %swap3A_52 = arith.constant 0 : index
    %swap3A_53 = vector.load %arg7[%swap3A_51, %swap3A_52] : memref<2048x128xf32, #tpu.memory_space<vmem>>, vector<512x128xf32>
    tpu.vector_store %arg7[%swap3A_51, %swap3A_52], %exp3A_50 {strides = array<i32>} : memref<2048x128xf32, #tpu.memory_space<vmem>>, vector<512x128xf32>,
    %get3A_54 = arith.constant 0 : index
    %get3A_55 = arith.constant 1024 : index
    %get3A_56 = arith.constant 0 : index
    %get3A_57 = vector.load %arg1[%get3A_54, %get3A_55, %get3A_56] : memref<1x2048x768xf32, #tpu.memory_space<vmem>>, vector<1x512x768xf32>
    %get3A_58 = vector.shape_cast %get3A_57 : vector<1x512x768xf32> to vector<512x768xf32>
    %dot_general3A_59 = arith.constant dense<0.000000e+00> : vector<512x128xf32>
    %dot_general3A_60 = tpu.matmul %get3A_58, %get3A_1, %dot_general3A_59 {dimension_numbers = #tpu.dot_dimension_numbers<[1], [1], [0], [0], [0, 0, 1, 0], [], []>, transpose_lhs_hint = false} : vector<512x768xf32>, vector<128x768xf32>, vector<512x128xf32> -> vector<512x128xf32>
    %mul3A_61 = arith.mulf %get3A_58, %get3A_58 : vector<512x768xf32>
    %reduce_sum3A_62 = arith.constant dense<0.000000e+00> : vector<512xf32>
    %reduce_sum3A_63 = vector.multi_reduction <add>, %mul3A_61, %reduce_sum3A_62 [1] : vector<512x768xf32> to vector<512xf32>
    %broadcast_in_dim3A_64 = vector.shape_cast %reduce_sum3A_63 : vector<512xf32> to vector<512x1xf32>
    %add3A_65 = vector.broadcast %broadcast_in_dim3A_64 : vector<512x1xf32> to vector<512x128xf32>
    %add3A_66 = vector.broadcast %dot_general3A_3 : vector<1x128xf32> to vector<512x128xf32>
    %add3A_67 = arith.addf %add3A_65, %add3A_66 : vector<512x128xf32>
    %mul3A_68 = arith.constant 2.000000e+00 : f32
    %mul3A_69 = vector.broadcast %mul3A_68 : f32 to vector<512x128xf32>
    %mul3A_70 = arith.mulf %mul3A_69, %dot_general3A_60 : vector<512x128xf32>
    %sub3A_71 = arith.subf %add3A_67, %mul3A_70 : vector<512x128xf32>
    %div3A_72 = arith.constant 7.680000e+02 : f32
    %div3A_73 = vector.broadcast %div3A_72 : f32 to vector<512x128xf32>
    %div3A_74 = arith.divf %sub3A_71, %div3A_73 : vector<512x128xf32>
    %mul3A_75 = arith.constant -2.000000e+01 : f32
    %mul3A_76 = vector.broadcast %mul3A_75 : f32 to vector<512x128xf32>
    %mul3A_77 = arith.mulf %div3A_74, %mul3A_76 : vector<512x128xf32>
    %exp3A_78 = math.exp %mul3A_77 : vector<512x128xf32>
    %swap3A_79 = arith.constant 1024 : index
    %swap3A_80 = arith.constant 0 : index
    %swap3A_81 = vector.load %arg7[%swap3A_79, %swap3A_80] : memref<2048x128xf32, #tpu.memory_space<vmem>>, vector<512x128xf32>
    tpu.vector_store %arg7[%swap3A_79, %swap3A_80], %exp3A_78 {strides = array<i32>} : memref<2048x128xf32, #tpu.memory_space<vmem>>, vector<512x128xf32>,
    %get3A_82 = arith.constant 0 : index
    %get3A_83 = arith.constant 1536 : index
    %get3A_84 = arith.constant 0 : index
    %get3A_85 = vector.load %arg1[%get3A_82, %get3A_83, %get3A_84] : memref<1x2048x768xf32, #tpu.memory_space<vmem>>, vector<1x512x768xf32>
    %get3A_86 = vector.shape_cast %get3A_85 : vector<1x512x768xf32> to vector<512x768xf32>
    %dot_general3A_87 = arith.constant dense<0.000000e+00> : vector<512x128xf32>
    %dot_general3A_88 = tpu.matmul %get3A_86, %get3A_1, %dot_general3A_87 {dimension_numbers = #tpu.dot_dimension_numbers<[1], [1], [0], [0], [0, 0, 1, 0], [], []>, transpose_lhs_hint = false} : vector<512x768xf32>, vector<128x768xf32>, vector<512x128xf32> -> vector<512x128xf32>
    %mul3A_89 = arith.mulf %get3A_86, %get3A_86 : vector<512x768xf32>
    %reduce_sum3A_90 = arith.constant dense<0.000000e+00> : vector<512xf32>
    %reduce_sum3A_91 = vector.multi_reduction <add>, %mul3A_89, %reduce_sum3A_90 [1] : vector<512x768xf32> to vector<512xf32>
    %broadcast_in_dim3A_92 = vector.shape_cast %reduce_sum3A_91 : vector<512xf32> to vector<512x1xf32>
    %add3A_93 = vector.broadcast %broadcast_in_dim3A_92 : vector<512x1xf32> to vector<512x128xf32>
    %add3A_94 = vector.broadcast %dot_general3A_3 : vector<1x128xf32> to vector<512x128xf32>
    %add3A_95 = arith.addf %add3A_93, %add3A_94 : vector<512x128xf32>
    %mul3A_96 = arith.constant 2.000000e+00 : f32
    %mul3A_97 = vector.broadcast %mul3A_96 : f32 to vector<512x128xf32>
    %mul3A_98 = arith.mulf %mul3A_97, %dot_general3A_88 : vector<512x128xf32>
    %sub3A_99 = arith.subf %add3A_95, %mul3A_98 : vector<512x128xf32>
    %div3A_100 = arith.constant 7.680000e+02 : f32
    %div3A_101 = vector.broadcast %div3A_100 : f32 to vector<512x128xf32>
    %div3A_102 = arith.divf %sub3A_99, %div3A_101 : vector<512x128xf32>
    %mul3A_103 = arith.constant -2.000000e+01 : f32
    %mul3A_104 = vector.broadcast %mul3A_103 : f32 to vector<512x128xf32>
    %mul3A_105 = arith.mulf %div3A_102, %mul3A_104 : vector<512x128xf32>
    %exp3A_106 = math.exp %mul3A_105 : vector<512x128xf32>
    %swap3A_107 = arith.constant 1536 : index
    %swap3A_108 = arith.constant 0 : index
    %swap3A_109 = vector.load %arg7[%swap3A_107, %swap3A_108] : memref<2048x128xf32, #tpu.memory_space<vmem>>, vector<512x128xf32>
    tpu.vector_store %arg7[%swap3A_107, %swap3A_108], %exp3A_106 {strides = array<i32>} : memref<2048x128xf32, #tpu.memory_space<vmem>>, vector<512x128xf32>,
    %broadcast_in_dim3A_110 = arith.constant 1.000000e+00 : f32
    %broadcast_in_dim3A_111 = vector.broadcast %broadcast_in_dim3A_110 : f32 to vector<1x128xf32>
    %while3A = arith.constant 0 : i32
    %while3A_112 = arith.constant 0x7F800000 : f32
    %while3A_113:3 = scf.while (%while3A_588 = %while3A, %while3A_589 = %broadcast_in_dim3A_111, %while3A_590 = %while3A_112) : (i32, vector<1x128xf32>, f32) -> (i32, vector<1x128xf32>, f32) {
      %lt3A_591 = arith.constant 50 : i32
      %lt3A_592 = arith.cmpi slt, %while3A_588, %lt3A_591 : i32
      %gt3A_593 = arith.constant 9.99999974E-6 : f32
      %gt3A_594 = arith.cmpf ogt, %while3A_590, %gt3A_593 : f32
      %and3A_595 = arith.andi %lt3A_592, %gt3A_594 : i1
      scf.condition(%and3A_595) %while3A_588, %while3A_589, %while3A_590 : i32, vector<1x128xf32>, f32
    } do {
    ^bb0(%while3A_588: i32, %while3A_589: vector<1x128xf32>, %while3A_590: f32):
      %broadcast_in_dim3A_591 = arith.constant 0.000000e+00 : f32
      %broadcast_in_dim3A_592 = vector.broadcast %broadcast_in_dim3A_591 : f32 to vector<1x128xf32>
      %get3A_593 = arith.constant 0 : index
      %get3A_594 = arith.constant 0 : index
      %get3A_595 = vector.load %arg7[%get3A_593, %get3A_594] : memref<2048x128xf32, #tpu.memory_space<vmem>>, vector<512x128xf32>
      %mul3A_596 = vector.broadcast %while3A_589 : vector<1x128xf32> to vector<512x128xf32>
      %mul3A_597 = arith.mulf %get3A_595, %mul3A_596 : vector<512x128xf32>
      %reduce_sum3A_598 = arith.constant dense<0.000000e+00> : vector<512xf32>
      %reduce_sum3A_599 = vector.multi_reduction <add>, %mul3A_597, %reduce_sum3A_598 [1] : vector<512x128xf32> to vector<512xf32>
      %broadcast_in_dim3A_600 = vector.shape_cast %reduce_sum3A_599 : vector<512xf32> to vector<512x1xf32>
      %div3A_601 = arith.constant 4.8828125E-4 : f32
      %div3A_602 = vector.broadcast %div3A_601 : f32 to vector<512x1xf32>
      %div3A_603 = arith.divf %div3A_602, %broadcast_in_dim3A_600 : vector<512x1xf32>
      %swap3A_604 = arith.constant 0 : index
      %swap3A_605 = arith.constant 0 : index
      %swap3A_606 = vector.load %arg8[%swap3A_604, %swap3A_605] : memref<2048x1xf32, #tpu.memory_space<vmem>>, vector<512x1xf32>
      tpu.vector_store %arg8[%swap3A_604, %swap3A_605], %div3A_603 {strides = array<i32>} : memref<2048x1xf32, #tpu.memory_space<vmem>>, vector<512x1xf32>,
      %mul3A_607 = vector.broadcast %div3A_603 : vector<512x1xf32> to vector<512x128xf32>
      %mul3A_608 = arith.mulf %get3A_595, %mul3A_607 : vector<512x128xf32>
      %reduce_sum3A_609 = arith.constant dense<0.000000e+00> : vector<128xf32>
      %reduce_sum3A_610 = vector.multi_reduction <add>, %mul3A_608, %reduce_sum3A_609 [0] : vector<512x128xf32> to vector<128xf32>
      %broadcast_in_dim3A_611 = vector.shape_cast %reduce_sum3A_610 : vector<128xf32> to vector<1x128xf32>
      %add3A_612 = arith.addf %broadcast_in_dim3A_592, %broadcast_in_dim3A_611 : vector<1x128xf32>
      %get3A_613 = arith.constant 512 : index
      %get3A_614 = arith.constant 0 : index
      %get3A_615 = vector.load %arg7[%get3A_613, %get3A_614] : memref<2048x128xf32, #tpu.memory_space<vmem>>, vector<512x128xf32>
      %mul3A_616 = vector.broadcast %while3A_589 : vector<1x128xf32> to vector<512x128xf32>
      %mul3A_617 = arith.mulf %get3A_615, %mul3A_616 : vector<512x128xf32>
      %reduce_sum3A_618 = arith.constant dense<0.000000e+00> : vector<512xf32>
      %reduce_sum3A_619 = vector.multi_reduction <add>, %mul3A_617, %reduce_sum3A_618 [1] : vector<512x128xf32> to vector<512xf32>
      %broadcast_in_dim3A_620 = vector.shape_cast %reduce_sum3A_619 : vector<512xf32> to vector<512x1xf32>
      %div3A_621 = arith.constant 4.8828125E-4 : f32
      %div3A_622 = vector.broadcast %div3A_621 : f32 to vector<512x1xf32>
      %div3A_623 = arith.divf %div3A_622, %broadcast_in_dim3A_620 : vector<512x1xf32>
      %swap3A_624 = arith.constant 512 : index
      %swap3A_625 = arith.constant 0 : index
      %swap3A_626 = vector.load %arg8[%swap3A_624, %swap3A_625] : memref<2048x1xf32, #tpu.memory_space<vmem>>, vector<512x1xf32>
      tpu.vector_store %arg8[%swap3A_624, %swap3A_625], %div3A_623 {strides = array<i32>} : memref<2048x1xf32, #tpu.memory_space<vmem>>, vector<512x1xf32>,
      %mul3A_627 = vector.broadcast %div3A_623 : vector<512x1xf32> to vector<512x128xf32>
      %mul3A_628 = arith.mulf %get3A_615, %mul3A_627 : vector<512x128xf32>
      %reduce_sum3A_629 = arith.constant dense<0.000000e+00> : vector<128xf32>
      %reduce_sum3A_630 = vector.multi_reduction <add>, %mul3A_628, %reduce_sum3A_629 [0] : vector<512x128xf32> to vector<128xf32>
      %broadcast_in_dim3A_631 = vector.shape_cast %reduce_sum3A_630 : vector<128xf32> to vector<1x128xf32>
      %add3A_632 = arith.addf %add3A_612, %broadcast_in_dim3A_631 : vector<1x128xf32>
      %get3A_633 = arith.constant 1024 : index
      %get3A_634 = arith.constant 0 : index
      %get3A_635 = vector.load %arg7[%get3A_633, %get3A_634] : memref<2048x128xf32, #tpu.memory_space<vmem>>, vector<512x128xf32>
      %mul3A_636 = vector.broadcast %while3A_589 : vector<1x128xf32> to vector<512x128xf32>
      %mul3A_637 = arith.mulf %get3A_635, %mul3A_636 : vector<512x128xf32>
      %reduce_sum3A_638 = arith.constant dense<0.000000e+00> : vector<512xf32>
      %reduce_sum3A_639 = vector.multi_reduction <add>, %mul3A_637, %reduce_sum3A_638 [1] : vector<512x128xf32> to vector<512xf32>
      %broadcast_in_dim3A_640 = vector.shape_cast %reduce_sum3A_639 : vector<512xf32> to vector<512x1xf32>
      %div3A_641 = arith.constant 4.8828125E-4 : f32
      %div3A_642 = vector.broadcast %div3A_641 : f32 to vector<512x1xf32>
      %div3A_643 = arith.divf %div3A_642, %broadcast_in_dim3A_640 : vector<512x1xf32>
      %swap3A_644 = arith.constant 1024 : index
      %swap3A_645 = arith.constant 0 : index
      %swap3A_646 = vector.load %arg8[%swap3A_644, %swap3A_645] : memref<2048x1xf32, #tpu.memory_space<vmem>>, vector<512x1xf32>
      tpu.vector_store %arg8[%swap3A_644, %swap3A_645], %div3A_643 {strides = array<i32>} : memref<2048x1xf32, #tpu.memory_space<vmem>>, vector<512x1xf32>,
      %mul3A_647 = vector.broadcast %div3A_643 : vector<512x1xf32> to vector<512x128xf32>
      %mul3A_648 = arith.mulf %get3A_635, %mul3A_647 : vector<512x128xf32>
      %reduce_sum3A_649 = arith.constant dense<0.000000e+00> : vector<128xf32>
      %reduce_sum3A_650 = vector.multi_reduction <add>, %mul3A_648, %reduce_sum3A_649 [0] : vector<512x128xf32> to vector<128xf32>
      %broadcast_in_dim3A_651 = vector.shape_cast %reduce_sum3A_650 : vector<128xf32> to vector<1x128xf32>
      %add3A_652 = arith.addf %add3A_632, %broadcast_in_dim3A_651 : vector<1x128xf32>
      %get3A_653 = arith.constant 1536 : index
      %get3A_654 = arith.constant 0 : index
      %get3A_655 = vector.load %arg7[%get3A_653, %get3A_654] : memref<2048x128xf32, #tpu.memory_space<vmem>>, vector<512x128xf32>
      %mul3A_656 = vector.broadcast %while3A_589 : vector<1x128xf32> to vector<512x128xf32>
      %mul3A_657 = arith.mulf %get3A_655, %mul3A_656 : vector<512x128xf32>
      %reduce_sum3A_658 = arith.constant dense<0.000000e+00> : vector<512xf32>
      %reduce_sum3A_659 = vector.multi_reduction <add>, %mul3A_657, %reduce_sum3A_658 [1] : vector<512x128xf32> to vector<512xf32>
      %broadcast_in_dim3A_660 = vector.shape_cast %reduce_sum3A_659 : vector<512xf32> to vector<512x1xf32>
      %div3A_661 = arith.constant 4.8828125E-4 : f32
      %div3A_662 = vector.broadcast %div3A_661 : f32 to vector<512x1xf32>
      %div3A_663 = arith.divf %div3A_662, %broadcast_in_dim3A_660 : vector<512x1xf32>
      %swap3A_664 = arith.constant 1536 : index
      %swap3A_665 = arith.constant 0 : index
      %swap3A_666 = vector.load %arg8[%swap3A_664, %swap3A_665] : memref<2048x1xf32, #tpu.memory_space<vmem>>, vector<512x1xf32>
      tpu.vector_store %arg8[%swap3A_664, %swap3A_665], %div3A_663 {strides = array<i32>} : memref<2048x1xf32, #tpu.memory_space<vmem>>, vector<512x1xf32>,
      %mul3A_667 = vector.broadcast %div3A_663 : vector<512x1xf32> to vector<512x128xf32>
      %mul3A_668 = arith.mulf %get3A_655, %mul3A_667 : vector<512x128xf32>
      %reduce_sum3A_669 = arith.constant dense<0.000000e+00> : vector<128xf32>
      %reduce_sum3A_670 = vector.multi_reduction <add>, %mul3A_668, %reduce_sum3A_669 [0] : vector<512x128xf32> to vector<128xf32>
      %broadcast_in_dim3A_671 = vector.shape_cast %reduce_sum3A_670 : vector<128xf32> to vector<1x128xf32>
      %add3A_672 = arith.addf %add3A_652, %broadcast_in_dim3A_671 : vector<1x128xf32>
      %div3A_673 = arith.constant 7.812500e-03 : f32
      %div3A_674 = vector.broadcast %div3A_673 : f32 to vector<1x128xf32>
      %div3A_675 = arith.divf %div3A_674, %add3A_672 : vector<1x128xf32>
      %sub3A_676 = arith.subf %div3A_675, %while3A_589 : vector<1x128xf32>
      %abs3A = math.absf %sub3A_676 : vector<1x128xf32>
      %div3A_677 = arith.divf %abs3A, %div3A_675 : vector<1x128xf32>
      %reduce_max3A = vector.shape_cast %div3A_677 : vector<1x128xf32> to vector<1x1x128xf32>
      %reduce_max3A_678 = arith.constant dense<0xFF800000> : vector<1xf32>
      %reduce_max3A_679 = vector.multi_reduction <maximumf>, %reduce_max3A, %reduce_max3A_678 [1, 2] : vector<1x1x128xf32> to vector<1xf32>
      %reduce_max3A_680 = vector.shape_cast %reduce_max3A_679 : vector<1xf32> to vector<1x1x1xf32>
      %reduce_max3A_681 = vector.extract %reduce_max3A_680[0, 0, 0] : f32 from vector<1x1x1xf32>
      %add3A_682 = arith.constant 1 : i32
      %add3A_683 = arith.addi %while3A_588, %add3A_682 : i32
      scf.yield %add3A_683, %div3A_675, %reduce_max3A_681 : i32, vector<1x128xf32>, f32
    }
    %iota3A = tpu.iota {dimensions = array<i32: 0>} : vector<128x128xi32>
    %iota3A_114 = tpu.iota {dimensions = array<i32: 1>} : vector<128x128xi32>
    %lt3A = arith.cmpi slt, %iota3A, %iota3A_114 : vector<128x128xi32>
    %convert_element_type3A = arith.extui %lt3A : vector<128x128xi1> to vector<128x128xi32>
    %convert_element_type3A_115 = arith.sitofp %convert_element_type3A : vector<128x128xi32> to vector<128x128xf32>
    %iota3A_116 = tpu.iota {dimensions = array<i32: 1>} : vector<1x768xi32>
    %convert_element_type3A_117 = arith.sitofp %iota3A_116 : vector<1x768xi32> to vector<1x768xf32>
    %mul3A_118 = arith.constant -0.0119926305 : f32
    %mul3A_119 = vector.broadcast %mul3A_118 : f32 to vector<1x768xf32>
    %mul3A_120 = arith.mulf %convert_element_type3A_117, %mul3A_119 : vector<1x768xf32>
    %exp3A_121 = math.exp %mul3A_120 : vector<1x768xf32>
    %iota3A_122 = tpu.iota {dimensions = array<i32: 0>} : vector<64x768xi32>
    %mul3A_123 = arith.constant 8 : i32
    %mul3A_124 = vector.broadcast %mul3A_123 : i32 to vector<64x768xi32>
    %mul3A_125 = arith.muli %iota3A_122, %mul3A_124 : vector<64x768xi32>
    %convert_element_type3A_126 = arith.sitofp %mul3A_125 : vector<64x768xi32> to vector<64x768xf32>
    %mul3A_127 = vector.broadcast %exp3A_121 : vector<1x768xf32> to vector<64x768xf32>
    %mul3A_128 = arith.mulf %convert_element_type3A_126, %mul3A_127 : vector<64x768xf32>
    %cos3A = math.cos %mul3A_128 : vector<64x768xf32>
    %mul3A_129 = vector.broadcast %exp3A_121 : vector<1x768xf32> to vector<64x768xf32>
    %mul3A_130 = arith.mulf %convert_element_type3A_126, %mul3A_129 : vector<64x768xf32>
    %sin3A = math.sin %mul3A_130 : vector<64x768xf32>
    %iota3A_131 = tpu.iota {dimensions = array<i32: 0>} : vector<8x768xi32>
    %convert_element_type3A_132 = arith.sitofp %iota3A_131 : vector<8x768xi32> to vector<8x768xf32>
    %mul3A_133 = vector.broadcast %exp3A_121 : vector<1x768xf32> to vector<8x768xf32>
    %mul3A_134 = arith.mulf %convert_element_type3A_132, %mul3A_133 : vector<8x768xf32>
    %cos3A_135 = math.cos %mul3A_134 : vector<8x768xf32>
    %mul3A_136 = vector.broadcast %exp3A_121 : vector<1x768xf32> to vector<8x768xf32>
    %mul3A_137 = arith.mulf %convert_element_type3A_132, %mul3A_136 : vector<8x768xf32>
    %sin3A_138 = math.sin %mul3A_137 : vector<8x768xf32>
    %broadcast_in_dim3A_139 = vector.shape_cast %cos3A_135 : vector<8x768xf32> to vector<1x8x768xf32>
    %broadcast_in_dim3A_140 = vector.shape_cast %broadcast_in_dim3A_139 : vector<1x8x768xf32> to vector<1x8x768xf32>
    %broadcast_in_dim3A_141 = vector.broadcast %broadcast_in_dim3A_140 : vector<1x8x768xf32> to vector<64x8x768xf32>
    %reshape3A = vector.shape_cast %broadcast_in_dim3A_141 : vector<64x8x768xf32> to vector<512x768xf32>
    %broadcast_in_dim3A_142 = vector.shape_cast %sin3A_138 : vector<8x768xf32> to vector<1x8x768xf32>
    %broadcast_in_dim3A_143 = vector.shape_cast %broadcast_in_dim3A_142 : vector<1x8x768xf32> to vector<1x8x768xf32>
    %broadcast_in_dim3A_144 = vector.broadcast %broadcast_in_dim3A_143 : vector<1x8x768xf32> to vector<64x8x768xf32>
    %reshape3A_145 = vector.shape_cast %broadcast_in_dim3A_144 : vector<64x8x768xf32> to vector<512x768xf32>
    %get3A_146 = arith.constant 0 : index
    %get3A_147 = arith.constant 0 : index
    %get3A_148 = vector.load %arg4[%get3A_146, %get3A_147] : memref<1x768xf32, #tpu.memory_space<vmem>>, vector<1x768xf32>
    %get3A_149 = arith.constant 0 : index
    %get3A_150 = arith.constant 0 : index
    %get3A_151 = vector.load %arg7[%get3A_149, %get3A_150] : memref<2048x128xf32, #tpu.memory_space<vmem>>, vector<512x128xf32>
    %get3A_152 = arith.constant 0 : index
    %get3A_153 = arith.constant 0 : index
    %get3A_154 = vector.load %arg8[%get3A_152, %get3A_153] : memref<2048x1xf32, #tpu.memory_space<vmem>>, vector<512x1xf32>
    %mul3A_155 = vector.broadcast %get3A_154 : vector<512x1xf32> to vector<512x128xf32>
    %mul3A_156 = arith.mulf %mul3A_155, %get3A_151 : vector<512x128xf32>
    %mul3A_157 = vector.broadcast %while3A_113#1 : vector<1x128xf32> to vector<512x128xf32>
    %mul3A_158 = arith.mulf %mul3A_156, %mul3A_157 : vector<512x128xf32>
    %broadcast_in_dim3A_159 = arith.constant 0.000000e+00 : f32
    %broadcast_in_dim3A_160 = vector.broadcast %broadcast_in_dim3A_159 : f32 to vector<512x1xf32>
    %broadcast_in_dim3A_161 = arith.constant 0.000000e+00 : f32
    %broadcast_in_dim3A_162 = vector.broadcast %broadcast_in_dim3A_161 : f32 to vector<512x1xf32>
    %scan3A = arith.constant 0 : i32
    %scan3A_163 = arith.constant 32 : i32
    %scan3A_164 = arith.addi %scan3A, %scan3A_163 : i32
    %scan3A_165 = arith.constant 1 : i32
    %scan3A_166:3 = scf.for %scan3A_588 = %scan3A to %scan3A_164 step %scan3A_165 iter_args(%scan3A_589 = %mul3A_158, %scan3A_590 = %broadcast_in_dim3A_160, %scan3A_591 = %broadcast_in_dim3A_162) -> (vector<512x128xf32>, vector<512x1xf32>, vector<512x1xf32>)  : i32 {
      %reduce_max3A = arith.constant dense<0xFF800000> : vector<512xf32>
      %reduce_max3A_592 = vector.multi_reduction <maximumf>, %scan3A_589, %reduce_max3A [1] : vector<512x128xf32> to vector<512xf32>
      %broadcast_in_dim3A_593 = vector.shape_cast %reduce_max3A_592 : vector<512xf32> to vector<512x1xf32>
      %eq3A_594 = vector.broadcast %broadcast_in_dim3A_593 : vector<512x1xf32> to vector<512x128xf32>
      %eq3A_595 = arith.cmpf oeq, %scan3A_589, %eq3A_594 : vector<512x128xf32>
      %convert_element_type3A_596 = arith.extui %eq3A_595 : vector<512x128xi1> to vector<512x128xi32>
      %convert_element_type3A_597 = arith.sitofp %convert_element_type3A_596 : vector<512x128xi32> to vector<512x128xf32>
      %reduce_sum3A_598 = arith.constant dense<0.000000e+00> : vector<512xf32>
      %reduce_sum3A_599 = vector.multi_reduction <add>, %convert_element_type3A_597, %reduce_sum3A_598 [1] : vector<512x128xf32> to vector<512xf32>
      %broadcast_in_dim3A_600 = vector.shape_cast %reduce_sum3A_599 : vector<512xf32> to vector<512x1xf32>
      %add3A_601 = arith.addf %scan3A_590, %broadcast_in_dim3A_600 : vector<512x1xf32>
      %lt3A_602 = arith.constant 3.200000e+01 : f32
      %lt3A_603 = vector.broadcast %lt3A_602 : f32 to vector<512x1xf32>
      %lt3A_604 = arith.cmpf olt, %scan3A_590, %lt3A_603 : vector<512x1xf32>
      %ge3A = arith.constant 3.200000e+01 : f32
      %ge3A_605 = vector.broadcast %ge3A : f32 to vector<512x1xf32>
      %ge3A_606 = arith.cmpf oge, %add3A_601, %ge3A_605 : vector<512x1xf32>
      %and3A_607 = arith.andi %lt3A_604, %ge3A_606 : vector<512x1xi1>
      %select_n3A_608 = arith.select %and3A_607, %broadcast_in_dim3A_593, %scan3A_591 : vector<512x1xi1>, vector<512x1xf32>
      %jit3A_609 = arith.constant 0xFF800000 : f32
      %broadcast_in_dim3A_610 = vector.broadcast %jit3A_609 : f32 to vector<512x128xf32>
      %select_n3A_611 = arith.select %eq3A_595, %broadcast_in_dim3A_610, %scan3A_589 : vector<512x128xi1>, vector<512x128xf32>
      scf.yield %select_n3A_611, %add3A_601, %select_n3A_608 : vector<512x128xf32>, vector<512x1xf32>, vector<512x1xf32>
    }
    %gt3A = vector.broadcast %scan3A_166#2 : vector<512x1xf32> to vector<512x128xf32>
    %gt3A_167 = arith.cmpf ogt, %mul3A_158, %gt3A : vector<512x128xf32>
    %eq3A = vector.broadcast %scan3A_166#2 : vector<512x1xf32> to vector<512x128xf32>
    %eq3A_168 = arith.cmpf oeq, %mul3A_158, %eq3A : vector<512x128xf32>
    %convert_element_type3A_169 = arith.extui %gt3A_167 : vector<512x128xi1> to vector<512x128xi32>
    %convert_element_type3A_170 = arith.sitofp %convert_element_type3A_169 : vector<512x128xi32> to vector<512x128xf32>
    %reduce_sum3A_171 = arith.constant dense<0.000000e+00> : vector<512xf32>
    %reduce_sum3A_172 = vector.multi_reduction <add>, %convert_element_type3A_170, %reduce_sum3A_171 [1] : vector<512x128xf32> to vector<512xf32>
    %broadcast_in_dim3A_173 = vector.shape_cast %reduce_sum3A_172 : vector<512xf32> to vector<512x1xf32>
    %convert_element_type3A_174 = arith.extui %eq3A_168 : vector<512x128xi1> to vector<512x128xi32>
    %convert_element_type3A_175 = arith.sitofp %convert_element_type3A_174 : vector<512x128xi32> to vector<512x128xf32>
    %dot_general3A_176 = arith.constant dense<0.000000e+00> : vector<512x128xf32>
    %dot_general3A_177 = tpu.matmul %convert_element_type3A_175, %convert_element_type3A_115, %dot_general3A_176 {dimension_numbers = #tpu.dot_dimension_numbers<[1], [0], [0], [1], [0, 0, 1, 1], [], []>, transpose_lhs_hint = false} : vector<512x128xf32>, vector<128x128xf32>, vector<512x128xf32> -> vector<512x128xf32>
    %sub3A_178 = arith.constant 3.200000e+01 : f32
    %sub3A_179 = vector.broadcast %sub3A_178 : f32 to vector<512x1xf32>
    %sub3A_180 = arith.subf %sub3A_179, %broadcast_in_dim3A_173 : vector<512x1xf32>
    %lt3A_181 = vector.broadcast %sub3A_180 : vector<512x1xf32> to vector<512x128xf32>
    %lt3A_182 = arith.cmpf olt, %dot_general3A_177, %lt3A_181 : vector<512x128xf32>
    %and3A = arith.andi %eq3A_168, %lt3A_182 : vector<512x128xi1>
    %or3A = arith.ori %gt3A_167, %and3A : vector<512x128xi1>
    %jit3A = arith.constant 1.000000e+00 : f32
    %jit3A_183 = arith.constant 0.000000e+00 : f32
    %broadcast_in_dim3A_184 = vector.broadcast %jit3A : f32 to vector<512x128xf32>
    %broadcast_in_dim3A_185 = vector.broadcast %jit3A_183 : f32 to vector<512x128xf32>
    %select_n3A = arith.select %or3A, %broadcast_in_dim3A_184, %broadcast_in_dim3A_185 : vector<512x128xi1>, vector<512x128xf32>
    %sub3A_186 = vector.broadcast %scan3A_166#2 : vector<512x1xf32> to vector<512x128xf32>
    %sub3A_187 = arith.subf %mul3A_158, %sub3A_186 : vector<512x128xf32>
    %max3A = arith.constant 0.000000e+00 : f32
    %max3A_188 = vector.broadcast %max3A : f32 to vector<512x128xf32>
    %max3A_189 = arith.maximumf %sub3A_187, %max3A_188 : vector<512x128xf32>
    %reduce_sum3A_190 = arith.constant dense<0.000000e+00> : vector<512xf32>
    %reduce_sum3A_191 = vector.multi_reduction <add>, %max3A_189, %reduce_sum3A_190 [1] : vector<512x128xf32> to vector<512xf32>
    %broadcast_in_dim3A_192 = vector.shape_cast %reduce_sum3A_191 : vector<512xf32> to vector<512x1xf32>
    %le3A = arith.constant 9.99999996E-13 : f32
    %le3A_193 = vector.broadcast %le3A : f32 to vector<512x1xf32>
    %le3A_194 = arith.cmpf ole, %broadcast_in_dim3A_192, %le3A_193 : vector<512x1xf32>
    %mul3A_195 = arith.mulf %mul3A_158, %select_n3A : vector<512x128xf32>
    %broadcast_in_dim3A_196 = vector.shape_cast %le3A_194 : vector<512x1xi1> to vector<512x1xi1>
    %broadcast_in_dim3A_197 = vector.broadcast %broadcast_in_dim3A_196 : vector<512x1xi1> to vector<512x128xi1>
    %select_n3A_198 = arith.select %broadcast_in_dim3A_197, %mul3A_195, %max3A_189 : vector<512x128xi1>, vector<512x128xf32>
    %get3A_199 = arith.constant 0 : index
    %get3A_200 = arith.constant 0 : index
    %get3A_201 = vector.load %arg3[%get3A_199, %get3A_200] : memref<768x128xf32, #tpu.memory_space<vmem>>, vector<768x128xf32>
    %dot_general3A_202 = arith.constant dense<0.000000e+00> : vector<512x768xf32>
    %dot_general3A_203 = tpu.matmul %select_n3A_198, %get3A_201, %dot_general3A_202 {dimension_numbers = #tpu.dot_dimension_numbers<[1], [1], [0], [0], [0, 0, 1, 0], [], []>, transpose_lhs_hint = false} : vector<512x128xf32>, vector<768x128xf32>, vector<512x768xf32> -> vector<512x768xf32>
    %add3A_204 = vector.broadcast %get3A_148 : vector<1x768xf32> to vector<512x768xf32>
    %add3A_205 = arith.addf %dot_general3A_203, %add3A_204 : vector<512x768xf32>
    %mul3A_206 = arith.constant 0.000000e+00 : f32
    %mul3A_207 = vector.broadcast %mul3A_206 : f32 to vector<1x768xf32>
    %mul3A_208 = arith.mulf %mul3A_207, %exp3A_121 : vector<1x768xf32>
    %cos3A_209 = math.cos %mul3A_208 : vector<1x768xf32>
    %mul3A_210 = arith.constant 0.000000e+00 : f32
    %mul3A_211 = vector.broadcast %mul3A_210 : f32 to vector<1x768xf32>
    %mul3A_212 = arith.mulf %mul3A_211, %exp3A_121 : vector<1x768xf32>
    %sin3A_213 = math.sin %mul3A_212 : vector<1x768xf32>
    %mul3A_214 = vector.broadcast %cos3A_209 : vector<1x768xf32> to vector<64x768xf32>
    %mul3A_215 = arith.mulf %mul3A_214, %cos3A : vector<64x768xf32>
    %mul3A_216 = vector.broadcast %sin3A_213 : vector<1x768xf32> to vector<64x768xf32>
    %mul3A_217 = arith.mulf %mul3A_216, %sin3A : vector<64x768xf32>
    %sub3A_218 = arith.subf %mul3A_215, %mul3A_217 : vector<64x768xf32>
    %mul3A_219 = vector.broadcast %sin3A_213 : vector<1x768xf32> to vector<64x768xf32>
    %mul3A_220 = arith.mulf %mul3A_219, %cos3A : vector<64x768xf32>
    %mul3A_221 = vector.broadcast %cos3A_209 : vector<1x768xf32> to vector<64x768xf32>
    %mul3A_222 = arith.mulf %mul3A_221, %sin3A : vector<64x768xf32>
    %add3A_223 = arith.addf %mul3A_220, %mul3A_222 : vector<64x768xf32>
    %broadcast_in_dim3A_224 = vector.shape_cast %sub3A_218 : vector<64x768xf32> to vector<64x1x768xf32>
    %broadcast_in_dim3A_225 = vector.shape_cast %broadcast_in_dim3A_224 : vector<64x1x768xf32> to vector<64x1x768xf32>
    %broadcast_in_dim3A_226 = vector.broadcast %broadcast_in_dim3A_225 : vector<64x1x768xf32> to vector<64x8x768xf32>
    %reshape3A_227 = vector.shape_cast %broadcast_in_dim3A_226 : vector<64x8x768xf32> to vector<512x768xf32>
    %broadcast_in_dim3A_228 = vector.shape_cast %add3A_223 : vector<64x768xf32> to vector<64x1x768xf32>
    %broadcast_in_dim3A_229 = vector.shape_cast %broadcast_in_dim3A_228 : vector<64x1x768xf32> to vector<64x1x768xf32>
    %broadcast_in_dim3A_230 = vector.broadcast %broadcast_in_dim3A_229 : vector<64x1x768xf32> to vector<64x8x768xf32>
    %reshape3A_231 = vector.shape_cast %broadcast_in_dim3A_230 : vector<64x8x768xf32> to vector<512x768xf32>
    %mul3A_232 = arith.mulf %reshape3A_227, %reshape3A : vector<512x768xf32>
    %mul3A_233 = arith.mulf %reshape3A_231, %reshape3A_145 : vector<512x768xf32>
    %sub3A_234 = arith.subf %mul3A_232, %mul3A_233 : vector<512x768xf32>
    %mul3A_235 = arith.mulf %reshape3A_231, %reshape3A : vector<512x768xf32>
    %mul3A_236 = arith.mulf %reshape3A_227, %reshape3A_145 : vector<512x768xf32>
    %add3A_237 = arith.addf %mul3A_235, %mul3A_236 : vector<512x768xf32>
    %mul3A_238 = arith.mulf %add3A_205, %sub3A_234 : vector<512x768xf32>
    %swap3A_239 = arith.constant 0 : index
    %swap3A_240 = arith.constant 0 : index
    %swap3A_241 = arith.constant 0 : index
    %swap3A_242 = vector.load %arg5[%swap3A_239, %swap3A_240, %swap3A_241] : memref<1x2048x768xf32, #tpu.memory_space<vmem>>, vector<1x512x768xf32>
    %swap3A_243 = vector.shape_cast %swap3A_242 : vector<1x512x768xf32> to vector<512x768xf32>
    %swap3A_244 = vector.shape_cast %mul3A_238 : vector<512x768xf32> to vector<1x512x768xf32>
    tpu.vector_store %arg5[%swap3A_239, %swap3A_240, %swap3A_241], %swap3A_244 {strides = array<i32>} : memref<1x2048x768xf32, #tpu.memory_space<vmem>>, vector<1x512x768xf32>,
    %mul3A_245 = arith.mulf %add3A_205, %add3A_237 : vector<512x768xf32>
    %swap3A_246 = arith.constant 0 : index
    %swap3A_247 = arith.constant 0 : index
    %swap3A_248 = arith.constant 0 : index
    %swap3A_249 = vector.load %arg6[%swap3A_246, %swap3A_247, %swap3A_248] : memref<1x2048x768xf32, #tpu.memory_space<vmem>>, vector<1x512x768xf32>
    %swap3A_250 = vector.shape_cast %swap3A_249 : vector<1x512x768xf32> to vector<512x768xf32>
    %swap3A_251 = vector.shape_cast %mul3A_245 : vector<512x768xf32> to vector<1x512x768xf32>
    tpu.vector_store %arg6[%swap3A_246, %swap3A_247, %swap3A_248], %swap3A_251 {strides = array<i32>} : memref<1x2048x768xf32, #tpu.memory_space<vmem>>, vector<1x512x768xf32>,
    %get3A_252 = arith.constant 512 : index
    %get3A_253 = arith.constant 0 : index
    %get3A_254 = vector.load %arg7[%get3A_252, %get3A_253] : memref<2048x128xf32, #tpu.memory_space<vmem>>, vector<512x128xf32>
    %get3A_255 = arith.constant 512 : index
    %get3A_256 = arith.constant 0 : index
    %get3A_257 = vector.load %arg8[%get3A_255, %get3A_256] : memref<2048x1xf32, #tpu.memory_space<vmem>>, vector<512x1xf32>
    %mul3A_258 = vector.broadcast %get3A_257 : vector<512x1xf32> to vector<512x128xf32>
    %mul3A_259 = arith.mulf %mul3A_258, %get3A_254 : vector<512x128xf32>
    %mul3A_260 = vector.broadcast %while3A_113#1 : vector<1x128xf32> to vector<512x128xf32>
    %mul3A_261 = arith.mulf %mul3A_259, %mul3A_260 : vector<512x128xf32>
    %broadcast_in_dim3A_262 = arith.constant 0.000000e+00 : f32
    %broadcast_in_dim3A_263 = vector.broadcast %broadcast_in_dim3A_262 : f32 to vector<512x1xf32>
    %broadcast_in_dim3A_264 = arith.constant 0.000000e+00 : f32
    %broadcast_in_dim3A_265 = vector.broadcast %broadcast_in_dim3A_264 : f32 to vector<512x1xf32>
    %scan3A_266 = arith.constant 0 : i32
    %scan3A_267 = arith.constant 32 : i32
    %scan3A_268 = arith.addi %scan3A_266, %scan3A_267 : i32
    %scan3A_269 = arith.constant 1 : i32
    %scan3A_270:3 = scf.for %scan3A_588 = %scan3A_266 to %scan3A_268 step %scan3A_269 iter_args(%scan3A_589 = %mul3A_261, %scan3A_590 = %broadcast_in_dim3A_263, %scan3A_591 = %broadcast_in_dim3A_265) -> (vector<512x128xf32>, vector<512x1xf32>, vector<512x1xf32>)  : i32 {
      %reduce_max3A = arith.constant dense<0xFF800000> : vector<512xf32>
      %reduce_max3A_592 = vector.multi_reduction <maximumf>, %scan3A_589, %reduce_max3A [1] : vector<512x128xf32> to vector<512xf32>
      %broadcast_in_dim3A_593 = vector.shape_cast %reduce_max3A_592 : vector<512xf32> to vector<512x1xf32>
      %eq3A_594 = vector.broadcast %broadcast_in_dim3A_593 : vector<512x1xf32> to vector<512x128xf32>
      %eq3A_595 = arith.cmpf oeq, %scan3A_589, %eq3A_594 : vector<512x128xf32>
      %convert_element_type3A_596 = arith.extui %eq3A_595 : vector<512x128xi1> to vector<512x128xi32>
      %convert_element_type3A_597 = arith.sitofp %convert_element_type3A_596 : vector<512x128xi32> to vector<512x128xf32>
      %reduce_sum3A_598 = arith.constant dense<0.000000e+00> : vector<512xf32>
      %reduce_sum3A_599 = vector.multi_reduction <add>, %convert_element_type3A_597, %reduce_sum3A_598 [1] : vector<512x128xf32> to vector<512xf32>
      %broadcast_in_dim3A_600 = vector.shape_cast %reduce_sum3A_599 : vector<512xf32> to vector<512x1xf32>
      %add3A_601 = arith.addf %scan3A_590, %broadcast_in_dim3A_600 : vector<512x1xf32>
      %lt3A_602 = arith.constant 3.200000e+01 : f32
      %lt3A_603 = vector.broadcast %lt3A_602 : f32 to vector<512x1xf32>
      %lt3A_604 = arith.cmpf olt, %scan3A_590, %lt3A_603 : vector<512x1xf32>
      %ge3A = arith.constant 3.200000e+01 : f32
      %ge3A_605 = vector.broadcast %ge3A : f32 to vector<512x1xf32>
      %ge3A_606 = arith.cmpf oge, %add3A_601, %ge3A_605 : vector<512x1xf32>
      %and3A_607 = arith.andi %lt3A_604, %ge3A_606 : vector<512x1xi1>
      %select_n3A_608 = arith.select %and3A_607, %broadcast_in_dim3A_593, %scan3A_591 : vector<512x1xi1>, vector<512x1xf32>
      %jit3A_609 = arith.constant 0xFF800000 : f32
      %broadcast_in_dim3A_610 = vector.broadcast %jit3A_609 : f32 to vector<512x128xf32>
      %select_n3A_611 = arith.select %eq3A_595, %broadcast_in_dim3A_610, %scan3A_589 : vector<512x128xi1>, vector<512x128xf32>
      scf.yield %select_n3A_611, %add3A_601, %select_n3A_608 : vector<512x128xf32>, vector<512x1xf32>, vector<512x1xf32>
    }
    %gt3A_271 = vector.broadcast %scan3A_270#2 : vector<512x1xf32> to vector<512x128xf32>
    %gt3A_272 = arith.cmpf ogt, %mul3A_261, %gt3A_271 : vector<512x128xf32>
    %eq3A_273 = vector.broadcast %scan3A_270#2 : vector<512x1xf32> to vector<512x128xf32>
    %eq3A_274 = arith.cmpf oeq, %mul3A_261, %eq3A_273 : vector<512x128xf32>
    %convert_element_type3A_275 = arith.extui %gt3A_272 : vector<512x128xi1> to vector<512x128xi32>
    %convert_element_type3A_276 = arith.sitofp %convert_element_type3A_275 : vector<512x128xi32> to vector<512x128xf32>
    %reduce_sum3A_277 = arith.constant dense<0.000000e+00> : vector<512xf32>
    %reduce_sum3A_278 = vector.multi_reduction <add>, %convert_element_type3A_276, %reduce_sum3A_277 [1] : vector<512x128xf32> to vector<512xf32>
    %broadcast_in_dim3A_279 = vector.shape_cast %reduce_sum3A_278 : vector<512xf32> to vector<512x1xf32>
    %convert_element_type3A_280 = arith.extui %eq3A_274 : vector<512x128xi1> to vector<512x128xi32>
    %convert_element_type3A_281 = arith.sitofp %convert_element_type3A_280 : vector<512x128xi32> to vector<512x128xf32>
    %dot_general3A_282 = arith.constant dense<0.000000e+00> : vector<512x128xf32>
    %dot_general3A_283 = tpu.matmul %convert_element_type3A_281, %convert_element_type3A_115, %dot_general3A_282 {dimension_numbers = #tpu.dot_dimension_numbers<[1], [0], [0], [1], [0, 0, 1, 1], [], []>, transpose_lhs_hint = false} : vector<512x128xf32>, vector<128x128xf32>, vector<512x128xf32> -> vector<512x128xf32>
    %sub3A_284 = arith.constant 3.200000e+01 : f32
    %sub3A_285 = vector.broadcast %sub3A_284 : f32 to vector<512x1xf32>
    %sub3A_286 = arith.subf %sub3A_285, %broadcast_in_dim3A_279 : vector<512x1xf32>
    %lt3A_287 = vector.broadcast %sub3A_286 : vector<512x1xf32> to vector<512x128xf32>
    %lt3A_288 = arith.cmpf olt, %dot_general3A_283, %lt3A_287 : vector<512x128xf32>
    %and3A_289 = arith.andi %eq3A_274, %lt3A_288 : vector<512x128xi1>
    %or3A_290 = arith.ori %gt3A_272, %and3A_289 : vector<512x128xi1>
    %jit3A_291 = arith.constant 1.000000e+00 : f32
    %jit3A_292 = arith.constant 0.000000e+00 : f32
    %broadcast_in_dim3A_293 = vector.broadcast %jit3A_291 : f32 to vector<512x128xf32>
    %broadcast_in_dim3A_294 = vector.broadcast %jit3A_292 : f32 to vector<512x128xf32>
    %select_n3A_295 = arith.select %or3A_290, %broadcast_in_dim3A_293, %broadcast_in_dim3A_294 : vector<512x128xi1>, vector<512x128xf32>
    %sub3A_296 = vector.broadcast %scan3A_270#2 : vector<512x1xf32> to vector<512x128xf32>
    %sub3A_297 = arith.subf %mul3A_261, %sub3A_296 : vector<512x128xf32>
    %max3A_298 = arith.constant 0.000000e+00 : f32
    %max3A_299 = vector.broadcast %max3A_298 : f32 to vector<512x128xf32>
    %max3A_300 = arith.maximumf %sub3A_297, %max3A_299 : vector<512x128xf32>
    %reduce_sum3A_301 = arith.constant dense<0.000000e+00> : vector<512xf32>
    %reduce_sum3A_302 = vector.multi_reduction <add>, %max3A_300, %reduce_sum3A_301 [1] : vector<512x128xf32> to vector<512xf32>
    %broadcast_in_dim3A_303 = vector.shape_cast %reduce_sum3A_302 : vector<512xf32> to vector<512x1xf32>
    %le3A_304 = arith.constant 9.99999996E-13 : f32
    %le3A_305 = vector.broadcast %le3A_304 : f32 to vector<512x1xf32>
    %le3A_306 = arith.cmpf ole, %broadcast_in_dim3A_303, %le3A_305 : vector<512x1xf32>
    %mul3A_307 = arith.mulf %mul3A_261, %select_n3A_295 : vector<512x128xf32>
    %broadcast_in_dim3A_308 = vector.shape_cast %le3A_306 : vector<512x1xi1> to vector<512x1xi1>
    %broadcast_in_dim3A_309 = vector.broadcast %broadcast_in_dim3A_308 : vector<512x1xi1> to vector<512x128xi1>
    %select_n3A_310 = arith.select %broadcast_in_dim3A_309, %mul3A_307, %max3A_300 : vector<512x128xi1>, vector<512x128xf32>
    %get3A_311 = arith.constant 0 : index
    %get3A_312 = arith.constant 0 : index
    %get3A_313 = vector.load %arg3[%get3A_311, %get3A_312] : memref<768x128xf32, #tpu.memory_space<vmem>>, vector<768x128xf32>
    %dot_general3A_314 = arith.constant dense<0.000000e+00> : vector<512x768xf32>
    %dot_general3A_315 = tpu.matmul %select_n3A_310, %get3A_313, %dot_general3A_314 {dimension_numbers = #tpu.dot_dimension_numbers<[1], [1], [0], [0], [0, 0, 1, 0], [], []>, transpose_lhs_hint = false} : vector<512x128xf32>, vector<768x128xf32>, vector<512x768xf32> -> vector<512x768xf32>
    %add3A_316 = vector.broadcast %get3A_148 : vector<1x768xf32> to vector<512x768xf32>
    %add3A_317 = arith.addf %dot_general3A_315, %add3A_316 : vector<512x768xf32>
    %mul3A_318 = arith.constant 5.120000e+02 : f32
    %mul3A_319 = vector.broadcast %mul3A_318 : f32 to vector<1x768xf32>
    %mul3A_320 = arith.mulf %mul3A_319, %exp3A_121 : vector<1x768xf32>
    %cos3A_321 = math.cos %mul3A_320 : vector<1x768xf32>
    %mul3A_322 = arith.constant 5.120000e+02 : f32
    %mul3A_323 = vector.broadcast %mul3A_322 : f32 to vector<1x768xf32>
    %mul3A_324 = arith.mulf %mul3A_323, %exp3A_121 : vector<1x768xf32>
    %sin3A_325 = math.sin %mul3A_324 : vector<1x768xf32>
    %mul3A_326 = vector.broadcast %cos3A_321 : vector<1x768xf32> to vector<64x768xf32>
    %mul3A_327 = arith.mulf %mul3A_326, %cos3A : vector<64x768xf32>
    %mul3A_328 = vector.broadcast %sin3A_325 : vector<1x768xf32> to vector<64x768xf32>
    %mul3A_329 = arith.mulf %mul3A_328, %sin3A : vector<64x768xf32>
    %sub3A_330 = arith.subf %mul3A_327, %mul3A_329 : vector<64x768xf32>
    %mul3A_331 = vector.broadcast %sin3A_325 : vector<1x768xf32> to vector<64x768xf32>
    %mul3A_332 = arith.mulf %mul3A_331, %cos3A : vector<64x768xf32>
    %mul3A_333 = vector.broadcast %cos3A_321 : vector<1x768xf32> to vector<64x768xf32>
    %mul3A_334 = arith.mulf %mul3A_333, %sin3A : vector<64x768xf32>
    %add3A_335 = arith.addf %mul3A_332, %mul3A_334 : vector<64x768xf32>
    %broadcast_in_dim3A_336 = vector.shape_cast %sub3A_330 : vector<64x768xf32> to vector<64x1x768xf32>
    %broadcast_in_dim3A_337 = vector.shape_cast %broadcast_in_dim3A_336 : vector<64x1x768xf32> to vector<64x1x768xf32>
    %broadcast_in_dim3A_338 = vector.broadcast %broadcast_in_dim3A_337 : vector<64x1x768xf32> to vector<64x8x768xf32>
    %reshape3A_339 = vector.shape_cast %broadcast_in_dim3A_338 : vector<64x8x768xf32> to vector<512x768xf32>
    %broadcast_in_dim3A_340 = vector.shape_cast %add3A_335 : vector<64x768xf32> to vector<64x1x768xf32>
    %broadcast_in_dim3A_341 = vector.shape_cast %broadcast_in_dim3A_340 : vector<64x1x768xf32> to vector<64x1x768xf32>
    %broadcast_in_dim3A_342 = vector.broadcast %broadcast_in_dim3A_341 : vector<64x1x768xf32> to vector<64x8x768xf32>
    %reshape3A_343 = vector.shape_cast %broadcast_in_dim3A_342 : vector<64x8x768xf32> to vector<512x768xf32>
    %mul3A_344 = arith.mulf %reshape3A_339, %reshape3A : vector<512x768xf32>
    %mul3A_345 = arith.mulf %reshape3A_343, %reshape3A_145 : vector<512x768xf32>
    %sub3A_346 = arith.subf %mul3A_344, %mul3A_345 : vector<512x768xf32>
    %mul3A_347 = arith.mulf %reshape3A_343, %reshape3A : vector<512x768xf32>
    %mul3A_348 = arith.mulf %reshape3A_339, %reshape3A_145 : vector<512x768xf32>
    %add3A_349 = arith.addf %mul3A_347, %mul3A_348 : vector<512x768xf32>
    %mul3A_350 = arith.mulf %add3A_317, %sub3A_346 : vector<512x768xf32>
    %swap3A_351 = arith.constant 0 : index
    %swap3A_352 = arith.constant 512 : index
    %swap3A_353 = arith.constant 0 : index
    %swap3A_354 = vector.load %arg5[%swap3A_351, %swap3A_352, %swap3A_353] : memref<1x2048x768xf32, #tpu.memory_space<vmem>>, vector<1x512x768xf32>
    %swap3A_355 = vector.shape_cast %swap3A_354 : vector<1x512x768xf32> to vector<512x768xf32>
    %swap3A_356 = vector.shape_cast %mul3A_350 : vector<512x768xf32> to vector<1x512x768xf32>
    tpu.vector_store %arg5[%swap3A_351, %swap3A_352, %swap3A_353], %swap3A_356 {strides = array<i32>} : memref<1x2048x768xf32, #tpu.memory_space<vmem>>, vector<1x512x768xf32>,
    %mul3A_357 = arith.mulf %add3A_317, %add3A_349 : vector<512x768xf32>
    %swap3A_358 = arith.constant 0 : index
    %swap3A_359 = arith.constant 512 : index
    %swap3A_360 = arith.constant 0 : index
    %swap3A_361 = vector.load %arg6[%swap3A_358, %swap3A_359, %swap3A_360] : memref<1x2048x768xf32, #tpu.memory_space<vmem>>, vector<1x512x768xf32>
    %swap3A_362 = vector.shape_cast %swap3A_361 : vector<1x512x768xf32> to vector<512x768xf32>
    %swap3A_363 = vector.shape_cast %mul3A_357 : vector<512x768xf32> to vector<1x512x768xf32>
    tpu.vector_store %arg6[%swap3A_358, %swap3A_359, %swap3A_360], %swap3A_363 {strides = array<i32>} : memref<1x2048x768xf32, #tpu.memory_space<vmem>>, vector<1x512x768xf32>,
    %get3A_364 = arith.constant 1024 : index
    %get3A_365 = arith.constant 0 : index
    %get3A_366 = vector.load %arg7[%get3A_364, %get3A_365] : memref<2048x128xf32, #tpu.memory_space<vmem>>, vector<512x128xf32>
    %get3A_367 = arith.constant 1024 : index
    %get3A_368 = arith.constant 0 : index
    %get3A_369 = vector.load %arg8[%get3A_367, %get3A_368] : memref<2048x1xf32, #tpu.memory_space<vmem>>, vector<512x1xf32>
    %mul3A_370 = vector.broadcast %get3A_369 : vector<512x1xf32> to vector<512x128xf32>
    %mul3A_371 = arith.mulf %mul3A_370, %get3A_366 : vector<512x128xf32>
    %mul3A_372 = vector.broadcast %while3A_113#1 : vector<1x128xf32> to vector<512x128xf32>
    %mul3A_373 = arith.mulf %mul3A_371, %mul3A_372 : vector<512x128xf32>
    %broadcast_in_dim3A_374 = arith.constant 0.000000e+00 : f32
    %broadcast_in_dim3A_375 = vector.broadcast %broadcast_in_dim3A_374 : f32 to vector<512x1xf32>
    %broadcast_in_dim3A_376 = arith.constant 0.000000e+00 : f32
    %broadcast_in_dim3A_377 = vector.broadcast %broadcast_in_dim3A_376 : f32 to vector<512x1xf32>
    %scan3A_378 = arith.constant 0 : i32
    %scan3A_379 = arith.constant 32 : i32
    %scan3A_380 = arith.addi %scan3A_378, %scan3A_379 : i32
    %scan3A_381 = arith.constant 1 : i32
    %scan3A_382:3 = scf.for %scan3A_588 = %scan3A_378 to %scan3A_380 step %scan3A_381 iter_args(%scan3A_589 = %mul3A_373, %scan3A_590 = %broadcast_in_dim3A_375, %scan3A_591 = %broadcast_in_dim3A_377) -> (vector<512x128xf32>, vector<512x1xf32>, vector<512x1xf32>)  : i32 {
      %reduce_max3A = arith.constant dense<0xFF800000> : vector<512xf32>
      %reduce_max3A_592 = vector.multi_reduction <maximumf>, %scan3A_589, %reduce_max3A [1] : vector<512x128xf32> to vector<512xf32>
      %broadcast_in_dim3A_593 = vector.shape_cast %reduce_max3A_592 : vector<512xf32> to vector<512x1xf32>
      %eq3A_594 = vector.broadcast %broadcast_in_dim3A_593 : vector<512x1xf32> to vector<512x128xf32>
      %eq3A_595 = arith.cmpf oeq, %scan3A_589, %eq3A_594 : vector<512x128xf32>
      %convert_element_type3A_596 = arith.extui %eq3A_595 : vector<512x128xi1> to vector<512x128xi32>
      %convert_element_type3A_597 = arith.sitofp %convert_element_type3A_596 : vector<512x128xi32> to vector<512x128xf32>
      %reduce_sum3A_598 = arith.constant dense<0.000000e+00> : vector<512xf32>
      %reduce_sum3A_599 = vector.multi_reduction <add>, %convert_element_type3A_597, %reduce_sum3A_598 [1] : vector<512x128xf32> to vector<512xf32>
      %broadcast_in_dim3A_600 = vector.shape_cast %reduce_sum3A_599 : vector<512xf32> to vector<512x1xf32>
      %add3A_601 = arith.addf %scan3A_590, %broadcast_in_dim3A_600 : vector<512x1xf32>
      %lt3A_602 = arith.constant 3.200000e+01 : f32
      %lt3A_603 = vector.broadcast %lt3A_602 : f32 to vector<512x1xf32>
      %lt3A_604 = arith.cmpf olt, %scan3A_590, %lt3A_603 : vector<512x1xf32>
      %ge3A = arith.constant 3.200000e+01 : f32
      %ge3A_605 = vector.broadcast %ge3A : f32 to vector<512x1xf32>
      %ge3A_606 = arith.cmpf oge, %add3A_601, %ge3A_605 : vector<512x1xf32>
      %and3A_607 = arith.andi %lt3A_604, %ge3A_606 : vector<512x1xi1>
      %select_n3A_608 = arith.select %and3A_607, %broadcast_in_dim3A_593, %scan3A_591 : vector<512x1xi1>, vector<512x1xf32>
      %jit3A_609 = arith.constant 0xFF800000 : f32
      %broadcast_in_dim3A_610 = vector.broadcast %jit3A_609 : f32 to vector<512x128xf32>
      %select_n3A_611 = arith.select %eq3A_595, %broadcast_in_dim3A_610, %scan3A_589 : vector<512x128xi1>, vector<512x128xf32>
      scf.yield %select_n3A_611, %add3A_601, %select_n3A_608 : vector<512x128xf32>, vector<512x1xf32>, vector<512x1xf32>
    }
    %gt3A_383 = vector.broadcast %scan3A_382#2 : vector<512x1xf32> to vector<512x128xf32>
    %gt3A_384 = arith.cmpf ogt, %mul3A_373, %gt3A_383 : vector<512x128xf32>
    %eq3A_385 = vector.broadcast %scan3A_382#2 : vector<512x1xf32> to vector<512x128xf32>
    %eq3A_386 = arith.cmpf oeq, %mul3A_373, %eq3A_385 : vector<512x128xf32>
    %convert_element_type3A_387 = arith.extui %gt3A_384 : vector<512x128xi1> to vector<512x128xi32>
    %convert_element_type3A_388 = arith.sitofp %convert_element_type3A_387 : vector<512x128xi32> to vector<512x128xf32>
    %reduce_sum3A_389 = arith.constant dense<0.000000e+00> : vector<512xf32>
    %reduce_sum3A_390 = vector.multi_reduction <add>, %convert_element_type3A_388, %reduce_sum3A_389 [1] : vector<512x128xf32> to vector<512xf32>
    %broadcast_in_dim3A_391 = vector.shape_cast %reduce_sum3A_390 : vector<512xf32> to vector<512x1xf32>
    %convert_element_type3A_392 = arith.extui %eq3A_386 : vector<512x128xi1> to vector<512x128xi32>
    %convert_element_type3A_393 = arith.sitofp %convert_element_type3A_392 : vector<512x128xi32> to vector<512x128xf32>
    %dot_general3A_394 = arith.constant dense<0.000000e+00> : vector<512x128xf32>
    %dot_general3A_395 = tpu.matmul %convert_element_type3A_393, %convert_element_type3A_115, %dot_general3A_394 {dimension_numbers = #tpu.dot_dimension_numbers<[1], [0], [0], [1], [0, 0, 1, 1], [], []>, transpose_lhs_hint = false} : vector<512x128xf32>, vector<128x128xf32>, vector<512x128xf32> -> vector<512x128xf32>
    %sub3A_396 = arith.constant 3.200000e+01 : f32
    %sub3A_397 = vector.broadcast %sub3A_396 : f32 to vector<512x1xf32>
    %sub3A_398 = arith.subf %sub3A_397, %broadcast_in_dim3A_391 : vector<512x1xf32>
    %lt3A_399 = vector.broadcast %sub3A_398 : vector<512x1xf32> to vector<512x128xf32>
    %lt3A_400 = arith.cmpf olt, %dot_general3A_395, %lt3A_399 : vector<512x128xf32>
    %and3A_401 = arith.andi %eq3A_386, %lt3A_400 : vector<512x128xi1>
    %or3A_402 = arith.ori %gt3A_384, %and3A_401 : vector<512x128xi1>
    %jit3A_403 = arith.constant 1.000000e+00 : f32
    %jit3A_404 = arith.constant 0.000000e+00 : f32
    %broadcast_in_dim3A_405 = vector.broadcast %jit3A_403 : f32 to vector<512x128xf32>
    %broadcast_in_dim3A_406 = vector.broadcast %jit3A_404 : f32 to vector<512x128xf32>
    %select_n3A_407 = arith.select %or3A_402, %broadcast_in_dim3A_405, %broadcast_in_dim3A_406 : vector<512x128xi1>, vector<512x128xf32>
    %sub3A_408 = vector.broadcast %scan3A_382#2 : vector<512x1xf32> to vector<512x128xf32>
    %sub3A_409 = arith.subf %mul3A_373, %sub3A_408 : vector<512x128xf32>
    %max3A_410 = arith.constant 0.000000e+00 : f32
    %max3A_411 = vector.broadcast %max3A_410 : f32 to vector<512x128xf32>
    %max3A_412 = arith.maximumf %sub3A_409, %max3A_411 : vector<512x128xf32>
    %reduce_sum3A_413 = arith.constant dense<0.000000e+00> : vector<512xf32>
    %reduce_sum3A_414 = vector.multi_reduction <add>, %max3A_412, %reduce_sum3A_413 [1] : vector<512x128xf32> to vector<512xf32>
    %broadcast_in_dim3A_415 = vector.shape_cast %reduce_sum3A_414 : vector<512xf32> to vector<512x1xf32>
    %le3A_416 = arith.constant 9.99999996E-13 : f32
    %le3A_417 = vector.broadcast %le3A_416 : f32 to vector<512x1xf32>
    %le3A_418 = arith.cmpf ole, %broadcast_in_dim3A_415, %le3A_417 : vector<512x1xf32>
    %mul3A_419 = arith.mulf %mul3A_373, %select_n3A_407 : vector<512x128xf32>
    %broadcast_in_dim3A_420 = vector.shape_cast %le3A_418 : vector<512x1xi1> to vector<512x1xi1>
    %broadcast_in_dim3A_421 = vector.broadcast %broadcast_in_dim3A_420 : vector<512x1xi1> to vector<512x128xi1>
    %select_n3A_422 = arith.select %broadcast_in_dim3A_421, %mul3A_419, %max3A_412 : vector<512x128xi1>, vector<512x128xf32>
    %get3A_423 = arith.constant 0 : index
    %get3A_424 = arith.constant 0 : index
    %get3A_425 = vector.load %arg3[%get3A_423, %get3A_424] : memref<768x128xf32, #tpu.memory_space<vmem>>, vector<768x128xf32>
    %dot_general3A_426 = arith.constant dense<0.000000e+00> : vector<512x768xf32>
    %dot_general3A_427 = tpu.matmul %select_n3A_422, %get3A_425, %dot_general3A_426 {dimension_numbers = #tpu.dot_dimension_numbers<[1], [1], [0], [0], [0, 0, 1, 0], [], []>, transpose_lhs_hint = false} : vector<512x128xf32>, vector<768x128xf32>, vector<512x768xf32> -> vector<512x768xf32>
    %add3A_428 = vector.broadcast %get3A_148 : vector<1x768xf32> to vector<512x768xf32>
    %add3A_429 = arith.addf %dot_general3A_427, %add3A_428 : vector<512x768xf32>
    %mul3A_430 = arith.constant 1.024000e+03 : f32
    %mul3A_431 = vector.broadcast %mul3A_430 : f32 to vector<1x768xf32>
    %mul3A_432 = arith.mulf %mul3A_431, %exp3A_121 : vector<1x768xf32>
    %cos3A_433 = math.cos %mul3A_432 : vector<1x768xf32>
    %mul3A_434 = arith.constant 1.024000e+03 : f32
    %mul3A_435 = vector.broadcast %mul3A_434 : f32 to vector<1x768xf32>
    %mul3A_436 = arith.mulf %mul3A_435, %exp3A_121 : vector<1x768xf32>
    %sin3A_437 = math.sin %mul3A_436 : vector<1x768xf32>
    %mul3A_438 = vector.broadcast %cos3A_433 : vector<1x768xf32> to vector<64x768xf32>
    %mul3A_439 = arith.mulf %mul3A_438, %cos3A : vector<64x768xf32>
    %mul3A_440 = vector.broadcast %sin3A_437 : vector<1x768xf32> to vector<64x768xf32>
    %mul3A_441 = arith.mulf %mul3A_440, %sin3A : vector<64x768xf32>
    %sub3A_442 = arith.subf %mul3A_439, %mul3A_441 : vector<64x768xf32>
    %mul3A_443 = vector.broadcast %sin3A_437 : vector<1x768xf32> to vector<64x768xf32>
    %mul3A_444 = arith.mulf %mul3A_443, %cos3A : vector<64x768xf32>
    %mul3A_445 = vector.broadcast %cos3A_433 : vector<1x768xf32> to vector<64x768xf32>
    %mul3A_446 = arith.mulf %mul3A_445, %sin3A : vector<64x768xf32>
    %add3A_447 = arith.addf %mul3A_444, %mul3A_446 : vector<64x768xf32>
    %broadcast_in_dim3A_448 = vector.shape_cast %sub3A_442 : vector<64x768xf32> to vector<64x1x768xf32>
    %broadcast_in_dim3A_449 = vector.shape_cast %broadcast_in_dim3A_448 : vector<64x1x768xf32> to vector<64x1x768xf32>
    %broadcast_in_dim3A_450 = vector.broadcast %broadcast_in_dim3A_449 : vector<64x1x768xf32> to vector<64x8x768xf32>
    %reshape3A_451 = vector.shape_cast %broadcast_in_dim3A_450 : vector<64x8x768xf32> to vector<512x768xf32>
    %broadcast_in_dim3A_452 = vector.shape_cast %add3A_447 : vector<64x768xf32> to vector<64x1x768xf32>
    %broadcast_in_dim3A_453 = vector.shape_cast %broadcast_in_dim3A_452 : vector<64x1x768xf32> to vector<64x1x768xf32>
    %broadcast_in_dim3A_454 = vector.broadcast %broadcast_in_dim3A_453 : vector<64x1x768xf32> to vector<64x8x768xf32>
    %reshape3A_455 = vector.shape_cast %broadcast_in_dim3A_454 : vector<64x8x768xf32> to vector<512x768xf32>
    %mul3A_456 = arith.mulf %reshape3A_451, %reshape3A : vector<512x768xf32>
    %mul3A_457 = arith.mulf %reshape3A_455, %reshape3A_145 : vector<512x768xf32>
    %sub3A_458 = arith.subf %mul3A_456, %mul3A_457 : vector<512x768xf32>
    %mul3A_459 = arith.mulf %reshape3A_455, %reshape3A : vector<512x768xf32>
    %mul3A_460 = arith.mulf %reshape3A_451, %reshape3A_145 : vector<512x768xf32>
    %add3A_461 = arith.addf %mul3A_459, %mul3A_460 : vector<512x768xf32>
    %mul3A_462 = arith.mulf %add3A_429, %sub3A_458 : vector<512x768xf32>
    %swap3A_463 = arith.constant 0 : index
    %swap3A_464 = arith.constant 1024 : index
    %swap3A_465 = arith.constant 0 : index
    %swap3A_466 = vector.load %arg5[%swap3A_463, %swap3A_464, %swap3A_465] : memref<1x2048x768xf32, #tpu.memory_space<vmem>>, vector<1x512x768xf32>
    %swap3A_467 = vector.shape_cast %swap3A_466 : vector<1x512x768xf32> to vector<512x768xf32>
    %swap3A_468 = vector.shape_cast %mul3A_462 : vector<512x768xf32> to vector<1x512x768xf32>
    tpu.vector_store %arg5[%swap3A_463, %swap3A_464, %swap3A_465], %swap3A_468 {strides = array<i32>} : memref<1x2048x768xf32, #tpu.memory_space<vmem>>, vector<1x512x768xf32>,
    %mul3A_469 = arith.mulf %add3A_429, %add3A_461 : vector<512x768xf32>
    %swap3A_470 = arith.constant 0 : index
    %swap3A_471 = arith.constant 1024 : index
    %swap3A_472 = arith.constant 0 : index
    %swap3A_473 = vector.load %arg6[%swap3A_470, %swap3A_471, %swap3A_472] : memref<1x2048x768xf32, #tpu.memory_space<vmem>>, vector<1x512x768xf32>
    %swap3A_474 = vector.shape_cast %swap3A_473 : vector<1x512x768xf32> to vector<512x768xf32>
    %swap3A_475 = vector.shape_cast %mul3A_469 : vector<512x768xf32> to vector<1x512x768xf32>
    tpu.vector_store %arg6[%swap3A_470, %swap3A_471, %swap3A_472], %swap3A_475 {strides = array<i32>} : memref<1x2048x768xf32, #tpu.memory_space<vmem>>, vector<1x512x768xf32>,
    %get3A_476 = arith.constant 1536 : index
    %get3A_477 = arith.constant 0 : index
    %get3A_478 = vector.load %arg7[%get3A_476, %get3A_477] : memref<2048x128xf32, #tpu.memory_space<vmem>>, vector<512x128xf32>
    %get3A_479 = arith.constant 1536 : index
    %get3A_480 = arith.constant 0 : index
    %get3A_481 = vector.load %arg8[%get3A_479, %get3A_480] : memref<2048x1xf32, #tpu.memory_space<vmem>>, vector<512x1xf32>
    %mul3A_482 = vector.broadcast %get3A_481 : vector<512x1xf32> to vector<512x128xf32>
    %mul3A_483 = arith.mulf %mul3A_482, %get3A_478 : vector<512x128xf32>
    %mul3A_484 = vector.broadcast %while3A_113#1 : vector<1x128xf32> to vector<512x128xf32>
    %mul3A_485 = arith.mulf %mul3A_483, %mul3A_484 : vector<512x128xf32>
    %broadcast_in_dim3A_486 = arith.constant 0.000000e+00 : f32
    %broadcast_in_dim3A_487 = vector.broadcast %broadcast_in_dim3A_486 : f32 to vector<512x1xf32>
    %broadcast_in_dim3A_488 = arith.constant 0.000000e+00 : f32
    %broadcast_in_dim3A_489 = vector.broadcast %broadcast_in_dim3A_488 : f32 to vector<512x1xf32>
    %scan3A_490 = arith.constant 0 : i32
    %scan3A_491 = arith.constant 32 : i32
    %scan3A_492 = arith.addi %scan3A_490, %scan3A_491 : i32
    %scan3A_493 = arith.constant 1 : i32
    %scan3A_494:3 = scf.for %scan3A_588 = %scan3A_490 to %scan3A_492 step %scan3A_493 iter_args(%scan3A_589 = %mul3A_485, %scan3A_590 = %broadcast_in_dim3A_487, %scan3A_591 = %broadcast_in_dim3A_489) -> (vector<512x128xf32>, vector<512x1xf32>, vector<512x1xf32>)  : i32 {
      %reduce_max3A = arith.constant dense<0xFF800000> : vector<512xf32>
      %reduce_max3A_592 = vector.multi_reduction <maximumf>, %scan3A_589, %reduce_max3A [1] : vector<512x128xf32> to vector<512xf32>
      %broadcast_in_dim3A_593 = vector.shape_cast %reduce_max3A_592 : vector<512xf32> to vector<512x1xf32>
      %eq3A_594 = vector.broadcast %broadcast_in_dim3A_593 : vector<512x1xf32> to vector<512x128xf32>
      %eq3A_595 = arith.cmpf oeq, %scan3A_589, %eq3A_594 : vector<512x128xf32>
      %convert_element_type3A_596 = arith.extui %eq3A_595 : vector<512x128xi1> to vector<512x128xi32>
      %convert_element_type3A_597 = arith.sitofp %convert_element_type3A_596 : vector<512x128xi32> to vector<512x128xf32>
      %reduce_sum3A_598 = arith.constant dense<0.000000e+00> : vector<512xf32>
      %reduce_sum3A_599 = vector.multi_reduction <add>, %convert_element_type3A_597, %reduce_sum3A_598 [1] : vector<512x128xf32> to vector<512xf32>
      %broadcast_in_dim3A_600 = vector.shape_cast %reduce_sum3A_599 : vector<512xf32> to vector<512x1xf32>
      %add3A_601 = arith.addf %scan3A_590, %broadcast_in_dim3A_600 : vector<512x1xf32>
      %lt3A_602 = arith.constant 3.200000e+01 : f32
      %lt3A_603 = vector.broadcast %lt3A_602 : f32 to vector<512x1xf32>
      %lt3A_604 = arith.cmpf olt, %scan3A_590, %lt3A_603 : vector<512x1xf32>
      %ge3A = arith.constant 3.200000e+01 : f32
      %ge3A_605 = vector.broadcast %ge3A : f32 to vector<512x1xf32>
      %ge3A_606 = arith.cmpf oge, %add3A_601, %ge3A_605 : vector<512x1xf32>
      %and3A_607 = arith.andi %lt3A_604, %ge3A_606 : vector<512x1xi1>
      %select_n3A_608 = arith.select %and3A_607, %broadcast_in_dim3A_593, %scan3A_591 : vector<512x1xi1>, vector<512x1xf32>
      %jit3A_609 = arith.constant 0xFF800000 : f32
      %broadcast_in_dim3A_610 = vector.broadcast %jit3A_609 : f32 to vector<512x128xf32>
      %select_n3A_611 = arith.select %eq3A_595, %broadcast_in_dim3A_610, %scan3A_589 : vector<512x128xi1>, vector<512x128xf32>
      scf.yield %select_n3A_611, %add3A_601, %select_n3A_608 : vector<512x128xf32>, vector<512x1xf32>, vector<512x1xf32>
    }
    %gt3A_495 = vector.broadcast %scan3A_494#2 : vector<512x1xf32> to vector<512x128xf32>
    %gt3A_496 = arith.cmpf ogt, %mul3A_485, %gt3A_495 : vector<512x128xf32>
    %eq3A_497 = vector.broadcast %scan3A_494#2 : vector<512x1xf32> to vector<512x128xf32>
    %eq3A_498 = arith.cmpf oeq, %mul3A_485, %eq3A_497 : vector<512x128xf32>
    %convert_element_type3A_499 = arith.extui %gt3A_496 : vector<512x128xi1> to vector<512x128xi32>
    %convert_element_type3A_500 = arith.sitofp %convert_element_type3A_499 : vector<512x128xi32> to vector<512x128xf32>
    %reduce_sum3A_501 = arith.constant dense<0.000000e+00> : vector<512xf32>
    %reduce_sum3A_502 = vector.multi_reduction <add>, %convert_element_type3A_500, %reduce_sum3A_501 [1] : vector<512x128xf32> to vector<512xf32>
    %broadcast_in_dim3A_503 = vector.shape_cast %reduce_sum3A_502 : vector<512xf32> to vector<512x1xf32>
    %convert_element_type3A_504 = arith.extui %eq3A_498 : vector<512x128xi1> to vector<512x128xi32>
    %convert_element_type3A_505 = arith.sitofp %convert_element_type3A_504 : vector<512x128xi32> to vector<512x128xf32>
    %dot_general3A_506 = arith.constant dense<0.000000e+00> : vector<512x128xf32>
    %dot_general3A_507 = tpu.matmul %convert_element_type3A_505, %convert_element_type3A_115, %dot_general3A_506 {dimension_numbers = #tpu.dot_dimension_numbers<[1], [0], [0], [1], [0, 0, 1, 1], [], []>, transpose_lhs_hint = false} : vector<512x128xf32>, vector<128x128xf32>, vector<512x128xf32> -> vector<512x128xf32>
    %sub3A_508 = arith.constant 3.200000e+01 : f32
    %sub3A_509 = vector.broadcast %sub3A_508 : f32 to vector<512x1xf32>
    %sub3A_510 = arith.subf %sub3A_509, %broadcast_in_dim3A_503 : vector<512x1xf32>
    %lt3A_511 = vector.broadcast %sub3A_510 : vector<512x1xf32> to vector<512x128xf32>
    %lt3A_512 = arith.cmpf olt, %dot_general3A_507, %lt3A_511 : vector<512x128xf32>
    %and3A_513 = arith.andi %eq3A_498, %lt3A_512 : vector<512x128xi1>
    %or3A_514 = arith.ori %gt3A_496, %and3A_513 : vector<512x128xi1>
    %jit3A_515 = arith.constant 1.000000e+00 : f32
    %jit3A_516 = arith.constant 0.000000e+00 : f32
    %broadcast_in_dim3A_517 = vector.broadcast %jit3A_515 : f32 to vector<512x128xf32>
    %broadcast_in_dim3A_518 = vector.broadcast %jit3A_516 : f32 to vector<512x128xf32>
    %select_n3A_519 = arith.select %or3A_514, %broadcast_in_dim3A_517, %broadcast_in_dim3A_518 : vector<512x128xi1>, vector<512x128xf32>
    %sub3A_520 = vector.broadcast %scan3A_494#2 : vector<512x1xf32> to vector<512x128xf32>
    %sub3A_521 = arith.subf %mul3A_485, %sub3A_520 : vector<512x128xf32>
    %max3A_522 = arith.constant 0.000000e+00 : f32
    %max3A_523 = vector.broadcast %max3A_522 : f32 to vector<512x128xf32>
    %max3A_524 = arith.maximumf %sub3A_521, %max3A_523 : vector<512x128xf32>
    %reduce_sum3A_525 = arith.constant dense<0.000000e+00> : vector<512xf32>
    %reduce_sum3A_526 = vector.multi_reduction <add>, %max3A_524, %reduce_sum3A_525 [1] : vector<512x128xf32> to vector<512xf32>
    %broadcast_in_dim3A_527 = vector.shape_cast %reduce_sum3A_526 : vector<512xf32> to vector<512x1xf32>
    %le3A_528 = arith.constant 9.99999996E-13 : f32
    %le3A_529 = vector.broadcast %le3A_528 : f32 to vector<512x1xf32>
    %le3A_530 = arith.cmpf ole, %broadcast_in_dim3A_527, %le3A_529 : vector<512x1xf32>
    %mul3A_531 = arith.mulf %mul3A_485, %select_n3A_519 : vector<512x128xf32>
    %broadcast_in_dim3A_532 = vector.shape_cast %le3A_530 : vector<512x1xi1> to vector<512x1xi1>
    %broadcast_in_dim3A_533 = vector.broadcast %broadcast_in_dim3A_532 : vector<512x1xi1> to vector<512x128xi1>
    %select_n3A_534 = arith.select %broadcast_in_dim3A_533, %mul3A_531, %max3A_524 : vector<512x128xi1>, vector<512x128xf32>
    %get3A_535 = arith.constant 0 : index
    %get3A_536 = arith.constant 0 : index
    %get3A_537 = vector.load %arg3[%get3A_535, %get3A_536] : memref<768x128xf32, #tpu.memory_space<vmem>>, vector<768x128xf32>
    %dot_general3A_538 = arith.constant dense<0.000000e+00> : vector<512x768xf32>
    %dot_general3A_539 = tpu.matmul %select_n3A_534, %get3A_537, %dot_general3A_538 {dimension_numbers = #tpu.dot_dimension_numbers<[1], [1], [0], [0], [0, 0, 1, 0], [], []>, transpose_lhs_hint = false} : vector<512x128xf32>, vector<768x128xf32>, vector<512x768xf32> -> vector<512x768xf32>
    %add3A_540 = vector.broadcast %get3A_148 : vector<1x768xf32> to vector<512x768xf32>
    %add3A_541 = arith.addf %dot_general3A_539, %add3A_540 : vector<512x768xf32>
    %mul3A_542 = arith.constant 1.536000e+03 : f32
    %mul3A_543 = vector.broadcast %mul3A_542 : f32 to vector<1x768xf32>
    %mul3A_544 = arith.mulf %mul3A_543, %exp3A_121 : vector<1x768xf32>
    %cos3A_545 = math.cos %mul3A_544 : vector<1x768xf32>
    %mul3A_546 = arith.constant 1.536000e+03 : f32
    %mul3A_547 = vector.broadcast %mul3A_546 : f32 to vector<1x768xf32>
    %mul3A_548 = arith.mulf %mul3A_547, %exp3A_121 : vector<1x768xf32>
    %sin3A_549 = math.sin %mul3A_548 : vector<1x768xf32>
    %mul3A_550 = vector.broadcast %cos3A_545 : vector<1x768xf32> to vector<64x768xf32>
    %mul3A_551 = arith.mulf %mul3A_550, %cos3A : vector<64x768xf32>
    %mul3A_552 = vector.broadcast %sin3A_549 : vector<1x768xf32> to vector<64x768xf32>
    %mul3A_553 = arith.mulf %mul3A_552, %sin3A : vector<64x768xf32>
    %sub3A_554 = arith.subf %mul3A_551, %mul3A_553 : vector<64x768xf32>
    %mul3A_555 = vector.broadcast %sin3A_549 : vector<1x768xf32> to vector<64x768xf32>
    %mul3A_556 = arith.mulf %mul3A_555, %cos3A : vector<64x768xf32>
    %mul3A_557 = vector.broadcast %cos3A_545 : vector<1x768xf32> to vector<64x768xf32>
    %mul3A_558 = arith.mulf %mul3A_557, %sin3A : vector<64x768xf32>
    %add3A_559 = arith.addf %mul3A_556, %mul3A_558 : vector<64x768xf32>
    %broadcast_in_dim3A_560 = vector.shape_cast %sub3A_554 : vector<64x768xf32> to vector<64x1x768xf32>
    %broadcast_in_dim3A_561 = vector.shape_cast %broadcast_in_dim3A_560 : vector<64x1x768xf32> to vector<64x1x768xf32>
    %broadcast_in_dim3A_562 = vector.broadcast %broadcast_in_dim3A_561 : vector<64x1x768xf32> to vector<64x8x768xf32>
    %reshape3A_563 = vector.shape_cast %broadcast_in_dim3A_562 : vector<64x8x768xf32> to vector<512x768xf32>
    %broadcast_in_dim3A_564 = vector.shape_cast %add3A_559 : vector<64x768xf32> to vector<64x1x768xf32>
    %broadcast_in_dim3A_565 = vector.shape_cast %broadcast_in_dim3A_564 : vector<64x1x768xf32> to vector<64x1x768xf32>
    %broadcast_in_dim3A_566 = vector.broadcast %broadcast_in_dim3A_565 : vector<64x1x768xf32> to vector<64x8x768xf32>
    %reshape3A_567 = vector.shape_cast %broadcast_in_dim3A_566 : vector<64x8x768xf32> to vector<512x768xf32>
    %mul3A_568 = arith.mulf %reshape3A_563, %reshape3A : vector<512x768xf32>
    %mul3A_569 = arith.mulf %reshape3A_567, %reshape3A_145 : vector<512x768xf32>
    %sub3A_570 = arith.subf %mul3A_568, %mul3A_569 : vector<512x768xf32>
    %mul3A_571 = arith.mulf %reshape3A_567, %reshape3A : vector<512x768xf32>
    %mul3A_572 = arith.mulf %reshape3A_563, %reshape3A_145 : vector<512x768xf32>
    %add3A_573 = arith.addf %mul3A_571, %mul3A_572 : vector<512x768xf32>
    %mul3A_574 = arith.mulf %add3A_541, %sub3A_570 : vector<512x768xf32>
    %swap3A_575 = arith.constant 0 : index
    %swap3A_576 = arith.constant 1536 : index
    %swap3A_577 = arith.constant 0 : index
    %swap3A_578 = vector.load %arg5[%swap3A_575, %swap3A_576, %swap3A_577] : memref<1x2048x768xf32, #tpu.memory_space<vmem>>, vector<1x512x768xf32>
    %swap3A_579 = vector.shape_cast %swap3A_578 : vector<1x512x768xf32> to vector<512x768xf32>
    %swap3A_580 = vector.shape_cast %mul3A_574 : vector<512x768xf32> to vector<1x512x768xf32>
    tpu.vector_store %arg5[%swap3A_575, %swap3A_576, %swap3A_577], %swap3A_580 {strides = array<i32>} : memref<1x2048x768xf32, #tpu.memory_space<vmem>>, vector<1x512x768xf32>,
    %mul3A_581 = arith.mulf %add3A_541, %add3A_573 : vector<512x768xf32>
    %swap3A_582 = arith.constant 0 : index
    %swap3A_583 = arith.constant 1536 : index
    %swap3A_584 = arith.constant 0 : index
    %swap3A_585 = vector.load %arg6[%swap3A_582, %swap3A_583, %swap3A_584] : memref<1x2048x768xf32, #tpu.memory_space<vmem>>, vector<1x512x768xf32>
    %swap3A_586 = vector.shape_cast %swap3A_585 : vector<1x512x768xf32> to vector<512x768xf32>
    %swap3A_587 = vector.shape_cast %mul3A_581 : vector<512x768xf32> to vector<1x512x768xf32>
    tpu.vector_store %arg6[%swap3A_582, %swap3A_583, %swap3A_584], %swap3A_587 {strides = array<i32>} : memref<1x2048x768xf32, #tpu.memory_space<vmem>>, vector<1x512x768xf32>,
    return
  }
  func.func @transform_0(%arg0: i32) -> (i32, i32, i32) {
    %c0_i32 = arith.constant 0 : i32
    %c0_i32_0 = arith.constant 0 : i32
    %c0_i32_1 = arith.constant 0 : i32
    return %arg0, %c0_i32, %c0_i32_0 : i32, i32, i32
  }
  func.func @transform_1(%arg0: i32) -> (i32, i32) {
    %c0_i32 = arith.constant 0 : i32
    %c0_i32_0 = arith.constant 0 : i32
    %c0_i32_1 = arith.constant 0 : i32
    return %c0_i32, %c0_i32_0 : i32, i32
  }
  func.func @transform_2(%arg0: i32) -> (i32, i32) {
    %c0_i32 = arith.constant 0 : i32
    %c0_i32_0 = arith.constant 0 : i32
    %c0_i32_1 = arith.constant 0 : i32
    return %c0_i32, %c0_i32_0 : i32, i32
  }
  func.func @transform_3(%arg0: i32) -> (i32, i32) {
    %c0_i32 = arith.constant 0 : i32
    %c0_i32_0 = arith.constant 0 : i32
    %c0_i32_1 = arith.constant 0 : i32
    return %c0_i32, %c0_i32_0 : i32, i32
  }
  func.func @transform_4(%arg0: i32) -> (i32, i32, i32) {
    %c0_i32 = arith.constant 0 : i32
    %c0_i32_0 = arith.constant 0 : i32
    %c0_i32_1 = arith.constant 0 : i32
    return %arg0, %c0_i32, %c0_i32_0 : i32, i32, i32
  }
  func.func @transform_5(%arg0: i32) -> (i32, i32, i32) {
    %c0_i32 = arith.constant 0 : i32
    %c0_i32_0 = arith.constant 0 : i32
    %c0_i32_1 = arith.constant 0 : i32
    return %arg0, %c0_i32, %c0_i32_0 : i32, i32, i32
  }
}

</mosaic_0001>

<sc_bundles>
// kernel: kernel.4.cloned.1.call-start
scs
__scs_entry_jumppad:
0x0: {  	(pc) =	sbr.rel $0x88, $3  }
0x1: {  	(tag) =	ssettag $0x0;
	lr =	simm.s32 $0x1  }
0x2: {  	[smem:$0x3F9C] =	sst lr;
	_ =	strace $0xD0000000  }
0x3: {  	_ = 	snop  }
0x4: {  	_ = 	snop  }
0x5: {  	_ = 	snop  }
0x6: {  	_ = 	snop  }
0x7: {  	_ = 	snop  }
__scs_overlays_trampoline_lowered:
0x8: {  	[smem:$0x3FAB] =	sst s0  }
0x9: {  	[smem:$0x3FAC] =	sst s1  }
0xa: {  	[smem:$0x3FAD] =	sst s2  }
0xb: {  	[smem:$0x3FAE] =	sst s3  }
0xc: {  	[smem:$0x3FAF] =	sst s4  }
0xd: {  	[smem:$0x3FB0] =	sst s5  }
0xe: {  	[smem:$0x3FB1] =	sst s6  }
0xf: {  	[smem:$0x3FB2] =	sst s7  }
0x10: {  	[smem:$0x3FB3] =	sst s8  }
0x11: {  	[smem:$0x3FB4] =	sst s9;
	s0 =	simm.s32 @!p0 $0x0  }
0x12: {  	s1 =	sld [smem:$0x3F9A];
	s0 =	simm.s32 @p0 $0x1  }
0x13: {  	[smem:$0x3FB5] =	sst s0;
	s0 =	simm.s32 @!p1 $0x0  }
0x14: {  	s2 =	sld [smem:$0x3F99];
	s0 =	simm.s32 @p1 $0x1  }
0x15: {  	[smem:$0x3FB6] =	sst s0;
	s0 =	simm.s32 @!p2 $0x0  }
0x16: {  	s3 =	sld [smem:$0x3FDB];
	s0 =	simm.s32 @p2 $0x1  }
0x17: {  	s4 =	simm.s32 $0x1BF5;
	[smem:$0x3FB8] =	sst s0  }
0x18: {  	s0 =	sld [smem:$0x3F9B];
	_ =	swait.ge [sflag:s4], $0x0  }
0x19: {  	s7 =	sld [smem:$0x3F9C]  }
0x1a: {  	s8 =	sadd.s32 $0xFFFFE003, lr  }
0x1b: {  	s9 =	sadd.s32 $0xFFFFFEF7, lr;
	s5 =	simm.s32 $0xFFFFFFFF;
	p2 =	slt.u32 s8, $0xFFFFF086  }
0x1c: {  	p1 =	slt.u32 s9, $0xF7A;
	s5 =	simm.s32 @!p2 $0x0  }
0x1d: {  	s5 =	simm.s32 @p1 $0x1;
	p0 =	seq.s32 s7, s2  }
0x1e: {  	s7 =	smul.u32 @!p0 $0xF7A, s2;
	p2 =	seq.s32 @!p0 s5, $0x0  }
0x1f: {  	s9 =	smul.u32 $0xF7A, s1;
	s8 =	simm.s32 @!p0 $0x1BF5;
	p2 =	por !p2, p0  }
0x20: {  	[sflag:s8] =	ssyncset.s32 @!p0 $0xFFFFF086;
	s6 =	sadd.s32 @!p0 s3, s7;
	s7 =	simm.s32 @!p0 $0x108  }
0x21: {  	s3 =	sadd.s32 s3, s9;
	s6 =	sadd.s32 @!p0 $0x88, s6;
	s7 =	simm.s32 @p2 $0x1082  }
0x22: {  	[simem:s7], [sflag:s8] =	dma.local @!p0 [hbm:s6], $0xF7A  }
0x23: {  	s9 =	sor.u32 $0xD0000000, s2;
	s6 =	simm.s32 $0x108;
	_ =	swait.ge @!p0 [sflag:s8], $0x0  }
0x24: {  	s3 =	sadd.s32 $0x88, s3;
	s6 =	simm.s32 @!p1 $0x1082;
	[sflag:s4] =	ssyncset.s32 $0xFFFFF086  }
0x25: {  	[simem:s6], [sflag:s4] =	dma.local [hbm:s3], $0xF7A  }
0x26: {  	[smem:$0x3F9C] =	sst s1;
	(tag) =	ssettag s2;
	_ =	strace s9  }
0x27: {  	s1 =	sld [smem:$0x3FAC]  }
0x28: {  	s2 =	sld [smem:$0x3FAD]  }
0x29: {  	s4 =	sld [smem:$0x3FAF]  }
0x2a: {  	p0 =	seq.s32 s5, $0x0;
	s5 =	sld [smem:$0x3FB0]  }
0x2b: {  	s6 =	sld [smem:$0x3FB1]  }
0x2c: {  	s7 =	sld [smem:$0x3FB2]  }
0x2d: {  	s3 =	simm.s32 $0x108;
	s8 =	sld [smem:$0x3FB3]  }
0x2e: {  	s3 =	simm.s32 @!p0 $0x1082;
	s9 =	sld [smem:$0x3FB4]  }
0x2f: {  	lr =	sadd.s32 s0, s3;
	s0 =	sld [smem:$0x3FAB]  }
0x30: {  	s3 =	sld [smem:$0x3FAE]  }
0x31: {  	[smem:$0x3FB7] =	sst s10  }
0x32: {  	s10 =	sld [smem:$0x3FB5];
	_ =	sdelay $0x3  }
0x33: {  	p0 =	seq.s32 s10, $0x1;
	s10 =	sld [smem:$0x3FB7];
	_ =	sdelay $0x3  }
0x34: {  	[smem:$0x3FB7] =	sst s10  }
0x35: {  	s10 =	sld [smem:$0x3FB6];
	_ =	sdelay $0x3  }
0x36: {  	p1 =	seq.s32 s10, $0x1;
	s10 =	sld [smem:$0x3FB7];
	_ =	sdelay $0x3  }
0x37: {  	[smem:$0x3FB7] =	sst s10  }
0x38: {  	s10 =	sld [smem:$0x3FB8]  }
0x39: {  	_ = 	snop;
	(pc) =	sbr.ind lr, $3  }
0x3a: {  	_ = 	snop  }
0x3b: {  	_ = 	snop  }
0x3c: {  	p2 =	seq.s32 s10, $0x1;
	s10 =	sld [smem:$0x3FB7]  }
0x3d: {  	_ =	shalt  }
0x3e: {  	_ =	shalt  }
0x3f: {  	_ =	shalt  }
0x40: {  	_ =	shalt  }
0x41: {  	_ =	shalt  }
0x42: {  	_ =	shalt  }
0x43: {  	_ =	shalt  }
0x44: {  	_ =	shalt  }
0x45: {  	_ =	shalt  }
0x46: {  	_ =	shalt  }
0x47: {  	_ =	shalt  }
0x48: {  	_ =	shalt  }
0x49: {  	_ =	shalt  }
0x4a: {  	_ =	shalt  }
0x4b: {  	_ =	shalt  }
0x4c: {  	_ =	shalt  }
0x4d: {  	_ =	shalt  }
0x4e: {  	_ =	shalt  }
0x4f: {  	_ =	shalt  }
0x50: {  	_ =	shalt  }
0x51: {  	_ =	shalt  }
0x52: {  	_ =	shalt  }
0x53: {  	_ =	shalt  }
0x54: {  	_ =	shalt  }
0x55: {  	_ =	shalt  }
0x56: {  	_ =	shalt  }
0x57: {  	_ =	shalt  }
0x58: {  	_ =	shalt  }
0x59: {  	_ =	shalt  }
0x5a: {  	_ =	shalt  }
0x5b: {  	_ =	shalt  }
0x5c: {  	_ =	shalt  }
0x5d: {  	_ =	shalt  }
0x5e: {  	_ =	shalt  }
0x5f: {  	_ =	shalt  }
0x60: {  	_ =	shalt  }
0x61: {  	_ =	shalt  }
0x62: {  	_ =	shalt  }
0x63: {  	_ =	shalt  }
0x64: {  	_ =	shalt  }
0x65: {  	_ =	shalt  }
0x66: {  	_ =	shalt  }
0x67: {  	_ =	shalt  }
0x68: {  	_ =	shalt  }
0x69: {  	_ =	shalt  }
0x6a: {  	_ =	shalt  }
0x6b: {  	_ =	shalt  }
0x6c: {  	_ =	shalt  }
0x6d: {  	_ =	shalt  }
0x6e: {  	_ =	shalt  }
0x6f: {  	_ =	shalt  }
0x70: {  	_ =	shalt  }
0x71: {  	_ =	shalt  }
0x72: {  	_ =	shalt  }
0x73: {  	_ =	shalt  }
0x74: {  	_ =	shalt  }
0x75: {  	_ =	shalt  }
0x76: {  	_ =	shalt  }
0x77: {  	_ =	shalt  }
0x78: {  	_ =	shalt  }
0x79: {  	_ =	shalt  }
0x7a: {  	_ =	shalt  }
0x7b: {  	_ =	shalt  }
0x7c: {  	_ =	shalt  }
0x7d: {  	_ =	shalt  }
0x7e: {  	_ =	shalt  }
0x7f: {  	_ =	shalt  }
0x80: {  	_ =	shalt  }
0x81: {  	_ =	shalt  }
0x82: {  	_ =	shalt  }
0x83: {  	_ =	shalt  }
0x84: {  	_ =	shalt  }
0x85: {  	_ =	shalt  }
0x86: {  	_ =	shalt  }
0x87: {  	_ =	shalt  }
.Lfunc_end0:
.L_simem_size_0:
called_computation_lowered:
.L_overlay_start_0:
0x88: {  	s2 =	sld [smem:$0x3FD9]  }
0x89: {  	s3 =	sld [smem:$0x3FFE];
	_ =	sdelay $0x1  }
0x8a: {  	s1 =	srdreg.scid  }
0x8b: {  	s0 =	sand.u32 $0x1, s1  }
0x8c: {  	s17 =	sshll.u32 s0, $0xA;
	s2 =	sadd.s32 s3, s2  }
0x8d: {  	s2 =	sadd.s32 s2, s17  }
0x8e: {  	[smem:$0x3FC3] =	sst s2  }
0x8f: {  	_ = 	snop  }
0x90: {  	s2 =	sld [smem:$0x3FC8]  }
0x91: {  	s18 =	sld [smem:$0x3FD0];
	(tm) =	ssettm $0x1  }
0x92: {  	s4 =	sld [smem:$0x3FFB];
	_ =	sdelay $0x3  }
0x93: {  	_ =	strace s4  }
0x94: {  	s4 =	sld [smem:$0x3FFC];
	_ =	sdelay $0x3  }
0x95: {  	_ =	strace s4  }
0x96: {  	s4 =	sld [smem:$0x3FFD];
	_ =	sdelay $0x3  }
0x97: {  	_ =	strace s4  }
0x98: {  	_ =	strace $0x8FFFFFFF  }
0x99: {  	s19 =	sld [smem:$0x3FDB];
	_ =	sdelay $0x1  }
0x9a: {  	s5 =	simm.s32 $_scs_section_size  }
0x9b: {  	s6 =	simm.s32 $_size__tile_overlayer_lowered;
	s7 =	simm.s32 $_tile_overlayer_lowered  }
0x9c: {  	s22 =	simm.s32 $0x1BFF;
	s21 =	sshll.u32 s7, $0x1;
	s4 =	sadd.s32 s5, s19  }
0x9d: {  	s8 =	simm.s32 $0x0;
	s20 =	sshll.u32 s6, $0x1;
	s6 =	sadd.s32 s21, s4  }
0x9e: {  	[timem:s8], [sflag:s22] =	dma.local [hbm:s6], s20  }
0x9f: {  	_ =	swait.ge [sflag:s22], s20  }
0xa0: {  	s5 =	ssub.s32 $0x0, s20;
	[sflag:s22] =	ssyncset.done $0x0  }
0xa1: {  	[sflag:s22] =	ssyncadd.s32 s5;
	_ =	sdelay $0x1  }
0xa2: {  	s23 =	simm.s32 $0x1B8B  }
0xa3: {  	_ =	swait.ge [sflag:s23], $0x1  }
0xa4: {  	[sflag:s23] =	ssyncset.done $0x0  }
0xa5: {  	s25 =	simm.s32 $0x1B8E;
	s24 =	sld [smem:$0x3FFE];
	[sflag:s23] =	ssyncadd.s32 $0xFFFFFFFF  }
0xa6: {  	s26 =	simm.s32 $execute0_lowered;
	[smem:$0x3FD2] =	sst s25  }
0xa7: {  	s6 =	sshll.u32 s26, $0x1;
	_ =	strace $0x80000046;
	[dreg:$0x1] =	wrdreg $0xFFFFFFFF  }
0xa8: {  	s28 =	simm.s32 $_size_execute0_lowered;
	s4 =	sadd.s32 s4, s6;
	[dreg:$0x0] =	wrdreg $0x0  }
0xa9: {  	s6 =	sshll.u32 s28, $0x1;
	[dreg:$0x2] =	wrdreg s4  }
0xaa: {  	[dreg:$0x3] =	wrdreg s6  }
0xab: {  	[dreg:$0x4] =	wrdreg $0xC0  }
0xac: {  	_ =	task [dreg:s8], $0x5FFFF  }
0xad: {  	[dreg:$0x1] =	wrdreg $0xFFFFFFFF  }
0xae: {  	[dreg:$0x0] =	wrdreg $0x60  }
0xaf: {  	[dreg:$0x2] =	wrdreg s2  }
0xb0: {  	[dreg:$0x3] =	wrdreg s24  }
0xb1: {  	[dreg:$0x4] =	wrdreg s18  }
0xb2: {  	[dreg:$0x5] =	wrdreg $0x9  }
0xb3: {  	_ =	task.clear_ibuf [dreg:s8], $0x6FFFF;
	_ =	strace $0x90000046  }
0xb4: {  	s29 =	simm.s32 $0x9;
	_ =	strace $0x80000048  }
0xb5: {  	_ =	swait.ge [sflag:s29], $0x1  }
0xb6: {  	[sflag:s29] =	ssyncadd.s32 $0xFFFFFFFF  }
0xb7: {  	_ =	strace $0x90000048  }
0xb8: {  	_ =	sfence  }
0xb9: {  	s30 =	sld [smem:$0x0];
	_ =	sdelay $0x2  }
0xba: {  	s31 =	sshll.u32 s1, $0xD;
	s1 =	sshrl.u32 s1, $0x2  }
0xbb: {  	s3 =	sand.u32 $0x4000, s31;
	s1 =	sadd.s32 s1, s30  }
0xbc: {  	s0 =	sor.u32 s3, s0;
	s1 =	sshll.u32 s1, $0x11  }
0xbd: {  	s0 =	sor.u32 s1, s0  }
0xbe: {  	s0 =	sadd.s32 $0x8F2B, s0  }
0xbf: {  	[sflag:s0] =	ssyncadd.remote.s32 $0x1  }
0xc0: {  	_ =	sfence.sel $0xFFFF  }
0xc1: {  	[dreg:$0x0] =	wrdreg $0xFFFFFFFF;
	(pc) =	sbr.abs _section_cstart, $3  }
0xc2: {  	[dreg:$0x1] =	wrdreg $0xFFFFFFFF  }
0xc3: {  	_ =	task.clear_ibuf [dreg:s8], $0x2FFFF;
	_ =	strace $0x9FFFFFFF  }
0xc4: {  	(tm) =	ssettm $0x7FFFFFFF  }
0xc5: {  	_ =	shalt  }
tec
execute0_lowered:
.L_overlay_start_1:
0x0: {  	(tag) =	ssettag $0x1  }
0x1: {  	s1 =	rddreg [dreg:$0x0]  }
0x2: {  	s4 =	rddreg [dreg:$0x1]  }
0x3: {  	s5 =	rddreg [dreg:$0x2];
	s3 =	simm.s32 $0x0  }
0x4: {  	s24 =	simm.s32 $0x880;
	[smem:$0x7FF] =	sst s3  }
0x5: {  	s25 =	simm.s32 $0x1080;
	_ =	strace $0x80000047;
	[dreg:$0x6] =	wrdreg s24  }
0x6: {  	s0 =	stileid.u32;
	s26 =	simm.s32 $0x1880;
	[dreg:$0x7] =	wrdreg s25  }
0x7: {  	s6 =	sshll.u32 s0, $0x5;
	s0 =	simm.s32 $0x2080;
	[dreg:$0x8] =	wrdreg s26  }
0x8: {  	s8 =	simm.s32 $0x4080;
	[dreg:$0x9] =	wrdreg s0  }
0x9: {  	s9 =	simm.s32 $0x4880;
	[dreg:$0xd] =	wrdreg s8  }
0xa: {  	s10 =	simm.s32 $0x5080;
	[dreg:$0xe] =	wrdreg s9  }
0xb: {  	s11 =	simm.s32 $0x5880;
	[dreg:$0xf] =	wrdreg s10  }
0xc: {  	s12 =	simm.s32 $0x6080;
	[dreg:$0x10] =	wrdreg s11  }
0xd: {  	s13 =	simm.s32 $0x6880;
	[dreg:$0x11] =	wrdreg s12  }
0xe: {  	s14 =	simm.s32 $0x7080;
	[dreg:$0x12] =	wrdreg s13  }
0xf: {  	s2 =	srdreg.scid;
	s15 =	simm.s32 $0x7880;
	[dreg:$0x13] =	wrdreg s14  }
0x10: {  	s16 =	simm.s32 $0x8080;
	s17 =	simm.s32 $0x8880;
	[dreg:$0x14] =	wrdreg s15  }
0x11: {  	s18 =	simm.s32 $0x9080;
	s20 =	simm.s32 $0x9880;
	[dreg:$0x15] =	wrdreg s16  }
0x12: {  	s21 =	simm.s32 $0xA080;
	s22 =	simm.s32 $0xA880;
	[dreg:$0x16] =	wrdreg s17  }
0x13: {  	s28 =	simm.s32 $0x16080;
	s29 =	simm.s32 $0x16880;
	[dreg:$0x17] =	wrdreg s18  }
0x14: {  	s30 =	simm.s32 $0x17080;
	s2 =	sand.u32 $0x1, s2;
	[dreg:$0x18] =	wrdreg s20  }
0x15: {  	s31 =	simm.s32 $0x17880;
	s7 =	sshll.u32 s2, $0x4;
	[dreg:$0x19] =	wrdreg s21  }
0x16: {  	s2 =	ssub.s32 $0x2, s2;
	[dreg:$0x1a] =	wrdreg s22;
	s24 =	simm.s32 $0xB880  }
0x17: {  	s25 =	simm.s32 $0xC080;
	s8 =	simm.s32 $0x80;
	s26 =	simm.s32 $0xC880  }
0x18: {  	s10 =	simm.s32 $0xD880;
	s11 =	simm.s32 $0xE080;
	s12 =	simm.s32 $0xE880  }
0x19: {  	s13 =	simm.s32 $0xF080;
	s14 =	simm.s32 $0xF880;
	s15 =	simm.s32 $0x10080  }
0x1a: {  	s16 =	simm.s32 $0x10880;
	s17 =	simm.s32 $0x11080;
	s18 =	simm.s32 $0x11880  }
0x1b: {  	s20 =	simm.s32 $0x12880;
	s21 =	simm.s32 $0x13080;
	[dreg:$0x1c] =	wrdreg s24  }
0x1c: {  	s22 =	simm.s32 $0x13880;
	s6 =	sor.u32 s7, s6;
	[dreg:$0x1d] =	wrdreg s25  }
0x1d: {  	s7 =	simm.s32 $0x3880;
	s19 =	sshrl.u32 s2, $0x1;
	[dreg:$0x1e] =	wrdreg s26  }
0x1e: {  	s24 =	simm.s32 $0x14880;
	s4 =	sadd.s32 s6, s4;
	s6 =	smul.u32 $0x300, s6  }
0x1f: {  	s25 =	simm.s32 $0x15080;
	[dreg:$0xc] =	wrdreg s7;
	s4 =	sadd.s32 $0xC00, s4  }
0x20: {  	s26 =	simm.s32 $0x15880;
	[dreg:$0x4] =	wrdreg s4;
	s23 =	sadd.s32 s5, s6  }
0x21: {  	s2 =	ssub.s32 s2, s19;
	s5 =	simm.s32 $0x2880;
	[dreg:$0x5] =	wrdreg s23  }
0x22: {  	s7 =	simm.s32 $0x2;
	s6 =	simm.s32 $0x3080;
	[dreg:$0xa] =	wrdreg s5  }
0x23: {  	v2 =	vlaneseq.u32;
	s19 =	simm.s32 $0x12080;
	s4 =	sadd.s32 $0x100, s1;
	[dreg:$0xb] =	wrdreg s6  }
0x24: {  	vm0 =	vmmov $0xffff;
	v1 =	vshrl.u32 v2, $0x3;
	s5 =	sadd.s32 $0x200, s1;
	s23 =	simm.s32 $0xB080;
	s6 =	smax.u32 s2, $0x1  }
0x25: {  	v0 =	vand.u32 $0x7, v2;
	v2 =	vor.u32 $0x8, v2;
	v1 =	vmul.u32 $0x8, v1;
	s2 =	simm.s32 $0x1;
	[dreg:$0x1b] =	wrdreg s23;
	s23 =	simm.s32 $0x14080  }
.LBB2_1:
0x26: {  	s0 =	rddreg [dreg:$0x4]  }
0x27: {  	[tilespmem:s3], [sflag:$0x2] =	stream.linear.gather [hbm4b:s0+s3], $0x80, $0x38;
	[tilespmem:$0x18080] =	vst v63  }
0x28: {  	_ =	swait.ge [sflag:s7], $0x80  }
0x29: {  	[sflag:s7] =	ssyncset.done $0x0  }
0x2a: {  	[sflag:s7] =	ssyncadd.s32 $0xFFFFFF80  }
0x2b: {  	v3 =	vld [tilespmem:$0x0];
	_ =	sdelay $0x4  }
0x2c: {  	v4 =	vshrl.u32 v3, $0x3  }
0x2d: {  	v4 =	vmul.u32 $0x30, v4  }
0x2e: {  	v3 =	vand.u32 $0x7, v3  }
0x2f: {  	v3 =	vor.u32 v3, v4  }
0x30: {  	v4 =	vperm.xlane v3, v0;
	_ =	sdelay $0x1  }
0x31: {  	v4 =	vadd.s32 v1, v4;
	_ =	sdelay $0x3  }
0x32: {  	v3 =	vperm.xlane v3, v2  }
0x33: {  	[tilespmem:s8], [sflag:$0x1] =	stream.indirect_vreg.gather [hbm4b:s1+s3], $0x80, v4, vm0, $0xb8;
	[tilespmem:$0x18080] =	vst v63  }
0x34: {  	s0 =	rddreg [dreg:$0x6];
	v3 =	vadd.s32 v1, v3  }
0x35: {  	[tilespmem:s0], [sflag:$0x1] =	stream.indirect_vreg.gather [hbm4b:s4+s3], $0x80, v4, vm0, $0xb8;
	[tilespmem:$0x18080] =	vst v63  }
0x36: {  	s9 =	rddreg [dreg:$0x7]  }
0x37: {  	[tilespmem:s9], [sflag:$0x1] =	stream.indirect_vreg.gather [hbm4b:s5+s3], $0x80, v4, vm0, $0xb8;
	[tilespmem:$0x18080] =	vst v63  }
0x38: {  	s0 =	rddreg [dreg:$0x8]  }
0x39: {  	[tilespmem:s0], [sflag:$0x1] =	stream.indirect_vreg.gather [hbm4b:s1+s3], $0x80, v3, vm0, $0xb8;
	[tilespmem:$0x18080] =	vst v63  }
0x3a: {  	s9 =	rddreg [dreg:$0x9]  }
0x3b: {  	[tilespmem:s9], [sflag:$0x1] =	stream.indirect_vreg.gather [hbm4b:s4+s3], $0x80, v3, vm0, $0xb8;
	[tilespmem:$0x18080] =	vst v63  }
0x3c: {  	s0 =	rddreg [dreg:$0xa]  }
0x3d: {  	[tilespmem:s0], [sflag:$0x1] =	stream.indirect_vreg.gather [hbm4b:s5+s3], $0x80, v3, vm0, $0xb8;
	[tilespmem:$0x18080] =	vst v63  }
0x3e: {  	v3 =	vld [tilespmem:$0x10];
	_ =	sdelay $0x4  }
0x3f: {  	v57 =	vshrl.u32 v3, $0x3  }
0x40: {  	v4 =	vmul.u32 $0x30, v57  }
0x41: {  	v3 =	vand.u32 $0x7, v3  }
0x42: {  	v3 =	vor.u32 v3, v4  }
0x43: {  	v4 =	vperm.xlane v3, v0;
	_ =	sdelay $0x1  }
0x44: {  	v4 =	vadd.s32 v1, v4;
	_ =	sdelay $0x3  }
0x45: {  	s0 =	rddreg [dreg:$0xb];
	v3 =	vperm.xlane v3, v2  }
0x46: {  	[tilespmem:s0], [sflag:$0x1] =	stream.indirect_vreg.gather [hbm4b:s1+s3], $0x80, v4, vm0, $0xb8;
	[tilespmem:$0x18080] =	vst v63  }
0x47: {  	s9 =	rddreg [dreg:$0xc];
	v3 =	vadd.s32 v1, v3  }
0x48: {  	[tilespmem:s9], [sflag:$0x1] =	stream.indirect_vreg.gather [hbm4b:s4+s3], $0x80, v4, vm0, $0xb8;
	[tilespmem:$0x18080] =	vst v63  }
0x49: {  	s0 =	rddreg [dreg:$0xd]  }
0x4a: {  	[tilespmem:s0], [sflag:$0x1] =	stream.indirect_vreg.gather [hbm4b:s5+s3], $0x80, v4, vm0, $0xb8;
	[tilespmem:$0x18080] =	vst v63  }
0x4b: {  	s9 =	rddreg [dreg:$0xe]  }
0x4c: {  	[tilespmem:s9], [sflag:$0x1] =	stream.indirect_vreg.gather [hbm4b:s1+s3], $0x80, v3, vm0, $0xb8;
	[tilespmem:$0x18080] =	vst v63  }
0x4d: {  	s0 =	rddreg [dreg:$0xf]  }
0x4e: {  	[tilespmem:s0], [sflag:$0x1] =	stream.indirect_vreg.gather [hbm4b:s4+s3], $0x80, v3, vm0, $0xb8;
	[tilespmem:$0x18080] =	vst v63  }
0x4f: {  	s9 =	rddreg [dreg:$0x10]  }
0x50: {  	[tilespmem:s9], [sflag:$0x1] =	stream.indirect_vreg.gather [hbm4b:s5+s3], $0x80, v3, vm0, $0xb8;
	[tilespmem:$0x18080] =	vst v63  }
0x51: {  	v3 =	vld [tilespmem:$0x20];
	_ =	sdelay $0x4  }
0x52: {  	v58 =	vshrl.u32 v3, $0x3  }
0x53: {  	v4 =	vmul.u32 $0x30, v58  }
0x54: {  	v3 =	vand.u32 $0x7, v3  }
0x55: {  	v3 =	vor.u32 v3, v4  }
0x56: {  	v4 =	vperm.xlane v3, v0;
	_ =	sdelay $0x1  }
0x57: {  	v4 =	vadd.s32 v1, v4;
	_ =	sdelay $0x3  }
0x58: {  	s0 =	rddreg [dreg:$0x11];
	v3 =	vperm.xlane v3, v2  }
0x59: {  	[tilespmem:s0], [sflag:$0x1] =	stream.indirect_vreg.gather [hbm4b:s1+s3], $0x80, v4, vm0, $0xb8;
	[tilespmem:$0x18080] =	vst v63  }
0x5a: {  	s9 =	rddreg [dreg:$0x12];
	v3 =	vadd.s32 v1, v3  }
0x5b: {  	[tilespmem:s9], [sflag:$0x1] =	stream.indirect_vreg.gather [hbm4b:s4+s3], $0x80, v4, vm0, $0xb8;
	[tilespmem:$0x18080] =	vst v63  }
0x5c: {  	s0 =	rddreg [dreg:$0x13]  }
0x5d: {  	[tilespmem:s0], [sflag:$0x1] =	stream.indirect_vreg.gather [hbm4b:s5+s3], $0x80, v4, vm0, $0xb8;
	[tilespmem:$0x18080] =	vst v63  }
0x5e: {  	s9 =	rddreg [dreg:$0x14]  }
0x5f: {  	[tilespmem:s9], [sflag:$0x1] =	stream.indirect_vreg.gather [hbm4b:s1+s3], $0x80, v3, vm0, $0xb8;
	[tilespmem:$0x18080] =	vst v63  }
0x60: {  	s0 =	rddreg [dreg:$0x15]  }
0x61: {  	[tilespmem:s0], [sflag:$0x1] =	stream.indirect_vreg.gather [hbm4b:s4+s3], $0x80, v3, vm0, $0xb8;
	[tilespmem:$0x18080] =	vst v63  }
0x62: {  	s9 =	rddreg [dreg:$0x16]  }
0x63: {  	[tilespmem:s9], [sflag:$0x1] =	stream.indirect_vreg.gather [hbm4b:s5+s3], $0x80, v3, vm0, $0xb8;
	[tilespmem:$0x18080] =	vst v63  }
0x64: {  	v3 =	vld [tilespmem:$0x30];
	_ =	sdelay $0x4  }
0x65: {  	v59 =	vshrl.u32 v3, $0x3  }
0x66: {  	v4 =	vmul.u32 $0x30, v59  }
0x67: {  	v3 =	vand.u32 $0x7, v3  }
0x68: {  	v3 =	vor.u32 v3, v4  }
0x69: {  	v4 =	vperm.xlane v3, v0;
	_ =	sdelay $0x1  }
0x6a: {  	v4 =	vadd.s32 v1, v4;
	_ =	sdelay $0x3  }
0x6b: {  	s0 =	rddreg [dreg:$0x17];
	v3 =	vperm.xlane v3, v2  }
0x6c: {  	[tilespmem:s0], [sflag:$0x1] =	stream.indirect_vreg.gather [hbm4b:s1+s3], $0x80, v4, vm0, $0xb8;
	[tilespmem:$0x18080] =	vst v63  }
0x6d: {  	s9 =	rddreg [dreg:$0x18];
	v3 =	vadd.s32 v1, v3  }
0x6e: {  	[tilespmem:s9], [sflag:$0x1] =	stream.indirect_vreg.gather [hbm4b:s4+s3], $0x80, v4, vm0, $0xb8;
	[tilespmem:$0x18080] =	vst v63  }
0x6f: {  	s0 =	rddreg [dreg:$0x19]  }
0x70: {  	[tilespmem:s0], [sflag:$0x1] =	stream.indirect_vreg.gather [hbm4b:s5+s3], $0x80, v4, vm0, $0xb8;
	[tilespmem:$0x18080] =	vst v63  }
0x71: {  	s9 =	rddreg [dreg:$0x1a]  }
0x72: {  	[tilespmem:s9], [sflag:$0x1] =	stream.indirect_vreg.gather [hbm4b:s1+s3], $0x80, v3, vm0, $0xb8;
	[tilespmem:$0x18080] =	vst v63  }
0x73: {  	s0 =	rddreg [dreg:$0x1b]  }
0x74: {  	[tilespmem:s0], [sflag:$0x1] =	stream.indirect_vreg.gather [hbm4b:s4+s3], $0x80, v3, vm0, $0xb8;
	[tilespmem:$0x18080] =	vst v63  }
0x75: {  	s9 =	rddreg [dreg:$0x1c]  }
0x76: {  	[tilespmem:s9], [sflag:$0x1] =	stream.indirect_vreg.gather [hbm4b:s5+s3], $0x80, v3, vm0, $0xb8;
	[tilespmem:$0x18080] =	vst v63  }
0x77: {  	v3 =	vld [tilespmem:$0x40];
	_ =	sdelay $0x4  }
0x78: {  	v60 =	vshrl.u32 v3, $0x3  }
0x79: {  	v4 =	vmul.u32 $0x30, v60  }
0x7a: {  	v3 =	vand.u32 $0x7, v3  }
0x7b: {  	v3 =	vor.u32 v3, v4  }
0x7c: {  	v4 =	vperm.xlane v3, v0;
	_ =	sdelay $0x1  }
0x7d: {  	v4 =	vadd.s32 v1, v4;
	_ =	sdelay $0x3  }
0x7e: {  	s0 =	rddreg [dreg:$0x1d];
	v3 =	vperm.xlane v3, v2  }
0x7f: {  	[tilespmem:s0], [sflag:$0x1] =	stream.indirect_vreg.gather [hbm4b:s1+s3], $0x80, v4, vm0, $0xb8;
	[tilespmem:$0x18080] =	vst v63  }
0x80: {  	s9 =	rddreg [dreg:$0x1e];
	v3 =	vadd.s32 v1, v3  }
0x81: {  	[tilespmem:s9], [sflag:$0x1] =	stream.indirect_vreg.gather [hbm4b:s4+s3], $0x80, v4, vm0, $0xb8;
	[tilespmem:$0x18080] =	vst v63  }
0x82: {  	s9 =	simm.s32 $0xD080  }
0x83: {  	[tilespmem:s9], [sflag:$0x1] =	stream.indirect_vreg.gather [hbm4b:s5+s3], $0x80, v4, vm0, $0xb8;
	[tilespmem:$0x18080] =	vst v63  }
0x84: {  	_ = 	snop  }
0x85: {  	[tilespmem:s10], [sflag:$0x1] =	stream.indirect_vreg.gather [hbm4b:s1+s3], $0x80, v3, vm0, $0xb8;
	[tilespmem:$0x18080] =	vst v63  }
0x86: {  	_ = 	snop  }
0x87: {  	[tilespmem:s11], [sflag:$0x1] =	stream.indirect_vreg.gather [hbm4b:s4+s3], $0x80, v3, vm0, $0xb8;
	[tilespmem:$0x18080] =	vst v63  }
0x88: {  	_ = 	snop  }
0x89: {  	[tilespmem:s12], [sflag:$0x1] =	stream.indirect_vreg.gather [hbm4b:s5+s3], $0x80, v3, vm0, $0xb8;
	[tilespmem:$0x18080] =	vst v63  }
0x8a: {  	v3 =	vld [tilespmem:$0x50];
	_ =	sdelay $0x4  }
0x8b: {  	v61 =	vshrl.u32 v3, $0x3  }
0x8c: {  	v4 =	vmul.u32 $0x30, v61  }
0x8d: {  	v3 =	vand.u32 $0x7, v3  }
0x8e: {  	v3 =	vor.u32 v3, v4  }
0x8f: {  	v4 =	vperm.xlane v3, v0;
	_ =	sdelay $0x1  }
0x90: {  	v4 =	vadd.s32 v1, v4;
	_ =	sdelay $0x3  }
0x91: {  	v3 =	vperm.xlane v3, v2  }
0x92: {  	[tilespmem:s13], [sflag:$0x1] =	stream.indirect_vreg.gather [hbm4b:s1+s3], $0x80, v4, vm0, $0xb8;
	[tilespmem:$0x18080] =	vst v63  }
0x93: {  	v3 =	vadd.s32 v1, v3  }
0x94: {  	[tilespmem:s14], [sflag:$0x1] =	stream.indirect_vreg.gather [hbm4b:s4+s3], $0x80, v4, vm0, $0xb8;
	[tilespmem:$0x18080] =	vst v63  }
0x95: {  	_ = 	snop  }
0x96: {  	[tilespmem:s15], [sflag:$0x1] =	stream.indirect_vreg.gather [hbm4b:s5+s3], $0x80, v4, vm0, $0xb8;
	[tilespmem:$0x18080] =	vst v63  }
0x97: {  	_ = 	snop  }
0x98: {  	[tilespmem:s16], [sflag:$0x1] =	stream.indirect_vreg.gather [hbm4b:s1+s3], $0x80, v3, vm0, $0xb8;
	[tilespmem:$0x18080] =	vst v63  }
0x99: {  	_ = 	snop  }
0x9a: {  	[tilespmem:s17], [sflag:$0x1] =	stream.indirect_vreg.gather [hbm4b:s4+s3], $0x80, v3, vm0, $0xb8;
	[tilespmem:$0x18080] =	vst v63  }
0x9b: {  	_ = 	snop  }
0x9c: {  	[tilespmem:s18], [sflag:$0x1] =	stream.indirect_vreg.gather [hbm4b:s5+s3], $0x80, v3, vm0, $0xb8;
	[tilespmem:$0x18080] =	vst v63  }
0x9d: {  	v3 =	vld [tilespmem:$0x60];
	_ =	sdelay $0x4  }
0x9e: {  	v62 =	vshrl.u32 v3, $0x3  }
0x9f: {  	v4 =	vmul.u32 $0x30, v62  }
0xa0: {  	v3 =	vand.u32 $0x7, v3  }
0xa1: {  	v3 =	vor.u32 v3, v4  }
0xa2: {  	v4 =	vperm.xlane v3, v0;
	_ =	sdelay $0x1  }
0xa3: {  	v4 =	vadd.s32 v1, v4;
	_ =	sdelay $0x3  }
0xa4: {  	v3 =	vperm.xlane v3, v2  }
0xa5: {  	[tilespmem:s19], [sflag:$0x1] =	stream.indirect_vreg.gather [hbm4b:s1+s3], $0x80, v4, vm0, $0xb8;
	[tilespmem:$0x18080] =	vst v63  }
0xa6: {  	v3 =	vadd.s32 v1, v3  }
0xa7: {  	[tilespmem:s20], [sflag:$0x1] =	stream.indirect_vreg.gather [hbm4b:s4+s3], $0x80, v4, vm0, $0xb8;
	[tilespmem:$0x18080] =	vst v63  }
0xa8: {  	_ = 	snop  }
0xa9: {  	[tilespmem:s21], [sflag:$0x1] =	stream.indirect_vreg.gather [hbm4b:s5+s3], $0x80, v4, vm0, $0xb8;
	[tilespmem:$0x18080] =	vst v63  }
0xaa: {  	_ = 	snop  }
0xab: {  	[tilespmem:s22], [sflag:$0x1] =	stream.indirect_vreg.gather [hbm4b:s1+s3], $0x80, v3, vm0, $0xb8;
	[tilespmem:$0x18080] =	vst v63  }
0xac: {  	_ = 	snop  }
0xad: {  	[tilespmem:s23], [sflag:$0x1] =	stream.indirect_vreg.gather [hbm4b:s4+s3], $0x80, v3, vm0, $0xb8;
	[tilespmem:$0x18080] =	vst v63  }
0xae: {  	_ = 	snop  }
0xaf: {  	[tilespmem:s24], [sflag:$0x1] =	stream.indirect_vreg.gather [hbm4b:s5+s3], $0x80, v3, vm0, $0xb8;
	[tilespmem:$0x18080] =	vst v63  }
0xb0: {  	v3 =	vld [tilespmem:$0x70];
	_ =	sdelay $0x4  }
0xb1: {  	v63 =	vshrl.u32 v3, $0x3  }
0xb2: {  	v4 =	vmul.u32 $0x30, v63  }
0xb3: {  	v3 =	vand.u32 $0x7, v3  }
0xb4: {  	v3 =	vor.u32 v3, v4  }
0xb5: {  	v4 =	vperm.xlane v3, v0;
	_ =	sdelay $0x1  }
0xb6: {  	v4 =	vadd.s32 v1, v4;
	_ =	sdelay $0x3  }
0xb7: {  	v3 =	vperm.xlane v3, v2  }
0xb8: {  	[tilespmem:s25], [sflag:$0x1] =	stream.indirect_vreg.gather [hbm4b:s1+s3], $0x80, v4, vm0, $0xb8;
	[tilespmem:$0x18080] =	vst v63  }
0xb9: {  	v3 =	vadd.s32 v1, v3  }
0xba: {  	[tilespmem:s26], [sflag:$0x1] =	stream.indirect_vreg.gather [hbm4b:s4+s3], $0x80, v4, vm0, $0xb8;
	[tilespmem:$0x18080] =	vst v63  }
0xbb: {  	_ = 	snop  }
0xbc: {  	[tilespmem:s28], [sflag:$0x1] =	stream.indirect_vreg.gather [hbm4b:s5+s3], $0x80, v4, vm0, $0xb8;
	[tilespmem:$0x18080] =	vst v63  }
0xbd: {  	_ = 	snop  }
0xbe: {  	[tilespmem:s29], [sflag:$0x1] =	stream.indirect_vreg.gather [hbm4b:s1+s3], $0x80, v3, vm0, $0xb8;
	[tilespmem:$0x18080] =	vst v63  }
0xbf: {  	_ = 	snop  }
0xc0: {  	[tilespmem:s30], [sflag:$0x1] =	stream.indirect_vreg.gather [hbm4b:s4+s3], $0x80, v3, vm0, $0xb8;
	[tilespmem:$0x18080] =	vst v63  }
0xc1: {  	_ = 	snop  }
0xc2: {  	[tilespmem:s31], [sflag:$0x1] =	stream.indirect_vreg.gather [hbm4b:s5+s3], $0x80, v3, vm0, $0xb8;
	[tilespmem:$0x18080] =	vst v63  }
0xc3: {  	_ =	swait.ge [sflag:s2], $0x18000  }
0xc4: {  	p0 =	sne.s32 s6, $0x1;
	[sflag:s2] =	ssyncset.done $0x0  }
.Ltmp0:
0xc5: {  	s9 =	rddreg [dreg:$0x5];
	[sflag:s2] =	ssyncadd.s32 $0xFFFE8000;
	(pc) =	sbr.rel @p0 .LBB2_1-.Ltmp0, $4  }
0xc6: {  	[hbm4b:s9+s3] =	stream.linear.scatter [tilespmem:s8], [sflag:$0x2], $0x18000, $0x38;
	[tilespmem:$0x18080] =	vst v63  }
0xc7: {  	_ =	swait.ge [sflag:s7], $0x18000  }
0xc8: {  	[sflag:s7] =	ssyncset.done $0x0  }
0xc9: {  	s6 =	sadd.s32 $0xFFFFFFFF, s6;
	[sflag:s7] =	ssyncadd.s32 $0xFFFE8000  }
0xca: {  	_ =	sfence.sel $0x180000  }
0xcb: {  	[bflag:$0x0] =	sbarrier.arrive $0xFFFF  }
0xcc: {  	_ =	strace $0x90000047  }
0xcd: {  	s0 =	stileid.u32;
	[bflag:$0x2] =	sbarrier.arrive $0xFFFF  }
0xce: {  	p0 =	sne.s32 s0, $0x0;
	s0 =	rddreg [dreg:$0x3]  }
0xcf: {  	s0 =	sadd.s32 @!p0 $0x100000, s0  }
0xd0: {  	[sflag:s0] =	ssyncadd.tile.s32 @!p0 $0x1;
	_ =	shalt  }
.Lfunc_end2:
_tile_overlayer_lowered:
.L_overlay_start_2:
0xd1: {  	(tag) =	ssettag $0x2  }
0xd2: {  	s0 =	rddreg [dreg:$0x0];
	s2 =	stileid.u32  }
0xd3: {  	s1 =	rddreg [dreg:$0x1];
	p0 =	sne.s32 s2, $0x0  }
0xd4: {  	s3 =	rddreg [dreg:$0x2];
	[bflag:$0x3] =	sbarrier.arrive $0xFFFF;
	s2 =	simm.s32 @!p0 $0x1C02  }
0xd5: {  	[timem:s3], [sflag:s2] =	dma.local @!p0 [hbm:s0], s1  }
0xd6: {  	s0 =	simm.s32 @!p0 $0x2  }
0xd7: {  	_ =	swait.ge @!p0 [sflag:s0], s1  }
0xd8: {  	s1 =	ssub.s32 @!p0 $0x0, s1;
	[sflag:s0] =	ssyncset.done @!p0 $0x0  }
0xd9: {  	[sflag:s0] =	ssyncadd.s32 @!p0 s1  }
0xda: {  	[bflag:$0x3] =	sbarrier.arrive $0xFFFF  }
0xdb: {  	_ =	shalt  }

</sc_bundles>
